<compile_context>
chip_gen: v7x
topology: tpu7x:2x2x1
jax: 0.10.2.dev20260603
libtpu: 0.0.44.dev20260713+nightly
codegen_flags: <defaults>
</compile_context>

<pallas_src>
import functools
import math

import jax
import jax.numpy as jnp
from jax import lax
from jax.experimental import pallas as pl

_BN_EPS = 1e-5
_BW = 0.2
_DENS_K = 100
_BN_SCALE = 1.0 / math.sqrt(1.0 + _BN_EPS)


def _cdiv(a, b):
    return (a + b - 1) // b



def _mm_kern(x_ref, w_ref, b_ref, o_ref, *, relu, scale):
    acc = jnp.dot(x_ref[...], w_ref[...], preferred_element_type=jnp.float32)
    acc = acc + b_ref[...]
    if relu:
        acc = jnp.maximum(acc, 0.0)
    if scale != 1.0:
        acc = acc * scale
    o_ref[...] = acc


def _linear(x, W, b, relu=True, bnorm=True):
    R, K = x.shape
    N = W.shape[1]
    bm = min(R, 1024)
    bn = min(N, 512)
    grid = (_cdiv(R, bm), _cdiv(N, bn))
    scale = _BN_SCALE if bnorm else 1.0
    return pl.pallas_call(
        functools.partial(_mm_kern, relu=relu, scale=scale),
        grid=grid,
        in_specs=[
            pl.BlockSpec((bm, K), lambda i, j: (i, 0)),
            pl.BlockSpec((K, bn), lambda i, j: (0, j)),
            pl.BlockSpec((1, bn), lambda i, j: (0, j)),
        ],
        out_specs=pl.BlockSpec((bm, bn), lambda i, j: (i, j)),
        out_shape=jax.ShapeDtypeStruct((R, N), jnp.float32),
    )(x, W, b.reshape(1, N))


def _mlp(x, layers):
    shp = x.shape
    h = x.reshape(-1, shp[-1])
    for (W, b) in layers:
        h = _linear(h, W, b, relu=True, bnorm=True)
    return h.reshape(*shp[:-1], h.shape[-1])



def _knn(q, p, k):
    d = jnp.sum((q[:, None, :] - p[None, :, :]) ** 2, axis=-1)
    _, idx = lax.top_k(-d, k)
    return idx


def _inv_density_at(pos_c, sel_c, k, bw):
    n = pos_c.shape[0]
    q = pos_c[sel_c]
    d2 = jnp.sum((q[:, None, :] - pos_c[None, :, :]) ** 2, axis=-1)
    self_mask = (sel_c[:, None] == jnp.arange(n, dtype=sel_c.dtype)[None, :])
    d2 = d2 + self_mask.astype(pos_c.dtype) * 1e10
    negd, _ = lax.top_k(-d2, k)
    dist = jnp.sqrt(jnp.maximum(-negd, 1e-12))
    dens = jnp.exp(-dist / (2.0 * bw * bw)) / (2.5 * bw)
    dens = jnp.mean(dens, axis=-1)
    return 1.0 / (dens + 1e-10)

def _fps(pos_c, m):
    n = pos_c.shape[0]

    def body(i, carry):
        sel, dmin, last = carry
        d = jnp.sum((pos_c - pos_c[last]) ** 2, axis=-1)
        dmin = jnp.minimum(dmin, d)
        nxt = jnp.argmax(dmin).astype(jnp.int32)
        sel = sel.at[i].set(nxt)
        return (sel, dmin, nxt)

    sel0 = jnp.zeros((m,), jnp.int32)
    carry = (sel0, jnp.full((n,), jnp.inf, dtype=pos_c.dtype), jnp.int32(0))
    sel, _, _ = lax.fori_loop(1, m, body, carry)
    return jnp.sort(sel)


def _set_abs(posb, xb, ratio, k, wn, ln, gn, dn):
    B, n, _ = posb.shape
    m = int(n * ratio)
    sel = jax.vmap(lambda p: _fps(p, m))(posb)
    spos = jax.vmap(lambda p, s: p[s])(posb, sel)
    nbr = jax.vmap(lambda q, p: _knn(q, p, k))(spos, posb)
    pos_j = jax.vmap(lambda p, i: p[i])(posb, nbr)
    grouped = pos_j - spos[:, :, None, :]
    x_j = jax.vmap(lambda a, i: a[i])(xb, nbr)
    msg = jnp.concatenate([grouped, x_j], axis=-1)
    weights = _mlp(grouped, wn)
    new_points = _mlp(msg, ln)
    sinv = jax.vmap(lambda p, s: _inv_density_at(p, s, _DENS_K, _BW))(posb, sel)[..., None]
    scale = _mlp(sinv, dn)
    new_points = new_points * scale[:, :, :, None]
    out = jnp.einsum('bmkc,bmkw->bmcw', new_points, weights).reshape(B, m, -1)
    out = _mlp(out, gn)
    return spos, out


def kernel(pos, x, batch, params):
    B = 4
    n = pos.shape[0] // B
    posb = pos.reshape(B, n, 3)
    xb = x.reshape(B, n, 3)
    pos1, x1 = _set_abs(posb, xb, 0.5, 32,
                        params['c1_wn'], params['c1_ln'], params['c1_gn'], params['c1_dn'])
    pos2, x2 = _set_abs(pos1, x1, 0.25, 64,
                        params['c2_wn'], params['c2_ln'], params['c2_gn'], params['c2_dn'])
    feat = jnp.concatenate([x2, pos2], axis=-1)
    feat = _mlp(feat, params['pool_nn'])
    g = jnp.max(feat, axis=1)
    h = _linear(g, params['lin1'][0], params['lin1'][1], relu=True, bnorm=False)
    h = _linear(h, params['lin2'][0], params['lin2'][1], relu=True, bnorm=False)
    logits = _linear(h, params['lin3'][0], params['lin3'][1], relu=False, bnorm=False)
    return logits - jax.scipy.special.logsumexp(logits, axis=-1, keepdims=True)

# --- scband reference (transcript-rebuilt; emitter-appended) ---
"""Pipeline reference for scband-net-52767968199020 (READ-ONLY COPY).

The authoritative reference and input builder live on the scoring server;
editing this copy changes nothing except your own understanding.
"""

import jax, jax.numpy as jnp
import numpy as np
from jax import lax

BN_EPS = 1e-5
BW = 0.2
DENSITY_K = 100


def mlp_apply(x, layers):
    # torch: Linear -> ReLU -> BatchNorm1d (eval mode, init running stats => scale by 1/sqrt(1+eps))
    for (W, b) in layers:
        x = jnp.maximum(jnp.dot(x, W) + b, 0.0)
        x = x / jnp.sqrt(1.0 + BN_EPS)
    return x


def fps_cloud(pos_c, m):
    # farthest point sampling, deterministic start at index 0; returns sorted indices (torch.sort(fps_idx))
    n = pos_c.shape[0]
    def body(i, carry):
        sel, dmin, last = carry
        d = jnp.sum((pos_c - pos_c[last]) ** 2, axis=-1)
        dmin = jnp.minimum(dmin, d)
        nxt = jnp.argmax(dmin).astype(jnp.int32)
        sel = sel.at[i].set(nxt)
        return (sel, dmin, nxt)
    sel0 = jnp.zeros((m,), jnp.int32)
    carry = (sel0, jnp.full((n,), jnp.inf, dtype=pos_c.dtype), jnp.int32(0))
    sel, _, _ = lax.fori_loop(1, m, body, carry)
    return jnp.sort(sel)


def knn_neighbors(q, p, k):
    d = jnp.sum((q[:, None, :] - p[None, :, :]) ** 2, axis=-1)
    _, idx = lax.top_k(-d, k)
    return idx


def cloud_inv_density(pos_c, k, bw):
    # DensityNet: knn_graph (no self loops) + gaussian kernel on euclidean norm, mean aggr
    n = pos_c.shape[0]
    d2 = jnp.sum((pos_c[:, None, :] - pos_c[None, :, :]) ** 2, axis=-1)
    d2 = d2 + jnp.eye(n, dtype=pos_c.dtype) * 1e10
    negd, _ = lax.top_k(-d2, k)
    dist = jnp.sqrt(jnp.maximum(-negd, 1e-12))
    dens = jnp.exp(-dist / (2.0 * bw * bw)) / (2.5 * bw)
    dens = jnp.mean(dens, axis=-1)
    return 1.0 / (dens + 1e-10)


def set_abstraction(posb, xb, ratio, k, wn, ln, gn, dn):
    B, n, _ = posb.shape
    m = int(n * ratio)
    psg = lax.stop_gradient(posb)
    sel = jax.vmap(lambda p: fps_cloud(p, m))(psg)                      # [B, m]
    spos = jax.vmap(lambda p, s: p[s])(posb, sel)                       # [B, m, 3]
    nbr = jax.vmap(lambda q, p: knn_neighbors(q, p, k))(lax.stop_gradient(spos), psg)  # [B, m, k]
    pos_j = jax.vmap(lambda p, i: p[i])(posb, nbr)                      # [B, m, k, 3]
    grouped = pos_j - spos[:, :, None, :]
    x_j = jax.vmap(lambda a, i: a[i])(xb, nbr)                          # [B, m, k, C_in]
    msg = jnp.concatenate([grouped, x_j], axis=-1)
    weights = mlp_apply(grouped, wn)                                    # [B, m, k, 4]
    new_points = mlp_apply(msg, ln)                                     # [B, m, k, C]
    inv_dens = jax.vmap(lambda p: cloud_inv_density(p, DENSITY_K, BW))(posb)  # [B, n]
    sinv = jnp.take_along_axis(inv_dens, sel, axis=1)[..., None]        # [B, m, 1]
    scale = mlp_apply(sinv, dn)                                         # [B, m, 1]
    new_points = new_points * scale[:, :, :, None]
    # aggr_int: [m,C,k] @ [m,k,W] -> [m, C*W]
    out = jnp.einsum('bmkc,bmkw->bmcw', new_points, weights).reshape(B, m, -1)
    out = mlp_apply(out, gn)
    return spos, out


def _forward(pos, x, params, B, n):
    posb = pos.reshape(B, n, 3)
    xb = x.reshape(B, n, 3)
    pos1, x1 = set_abstraction(posb, xb, 0.5, 32, params['c1_wn'], params['c1_ln'], params['c1_gn'], params['c1_dn'])
    pos2, x2 = set_abstraction(pos1, x1, 0.25, 64, params['c2_wn'], params['c2_ln'], params['c2_gn'], params['c2_dn'])
    feat = jnp.concatenate([x2, pos2], axis=-1)                         # [B, m2, 2051]
    feat = mlp_apply(feat, params['pool_nn'])                           # [B, m2, 2048]
    g = jnp.max(feat, axis=1)                                           # global_max_pool -> [B, 2048]
    h = jnp.maximum(jnp.dot(g, params['lin1'][0]) + params['lin1'][1], 0.0)
    h = jnp.maximum(jnp.dot(h, params['lin2'][0]) + params['lin2'][1], 0.0)
    logits = jnp.dot(h, params['lin3'][0]) + params['lin3'][1]
    return logits - jax.scipy.special.logsumexp(logits, axis=-1, keepdims=True)


def _make_mlp(key, channels):
    layers = []
    for i in range(1, len(channels)):
        key, k1, k2 = jax.random.split(key, 3)
        W = jax.random.normal(k1, (channels[i - 1], channels[i]), dtype=jnp.float32) / np.sqrt(channels[i - 1])
        b = jax.random.normal(k2, (channels[i],), dtype=jnp.float32) * 0.01
        layers.append((W, b))
    return layers, key


def setup_inputs(seed: int = 0):
    key = jax.random.key(seed)
    B, n = 4, 2048
    key, kp, kx = jax.random.split(key, 3)
    pos = jax.random.normal(kp, (B * n, 3), dtype=jnp.float32)
    x = jax.random.normal(kx, (B * n, 3), dtype=jnp.float32)
    batch = jnp.repeat(jnp.arange(B), n).astype(jnp.int64)
    params = {}
    params['c1_wn'], key = _make_mlp(key, [3, 8, 4])
    params['c1_ln'], key = _make_mlp(key, [6, 16, 16])
    params['c1_gn'], key = _make_mlp(key, [64, 256, 256])
    params['c1_dn'], key = _make_mlp(key, [1, 8, 1])
    params['c2_wn'], key = _make_mlp(key, [3, 8, 4])
    params['c2_ln'], key = _make_mlp(key, [259, 256, 256])
    params['c2_gn'], key = _make_mlp(key, [1024, 1024, 2048])
    params['c2_dn'], key = _make_mlp(key, [1, 8, 1])
    params['pool_nn'], key = _make_mlp(key, [2051, 2048, 2048])
    for name, shp in [('lin1', (2048, 512)), ('lin2', (512, 256)), ('lin3', (256, 10))]:
        key, k1, k2 = jax.random.split(key, 3)
        params[name] = (jax.random.normal(k1, shp, dtype=jnp.float32) / np.sqrt(shp[0]),
                        jax.random.normal(k2, (shp[1],), dtype=jnp.float32) * 0.01)
    return {'pos': pos, 'x': x, 'batch': batch, 'params': params}


def reference(pos, x, batch, params):
    B = 4
    n = pos.shape[0] // B
    pos = pos + (batch * 0)[:, None].astype(pos.dtype)
    return _forward(pos, x, params, B, n)

if __name__ == "__main__":
    import jax
    _d = setup_inputs()
    print(jax.jit(kernel)(*tuple(_d.values())))

</pallas_src>

<mosaic_0001>
module attributes {stable_mosaic.version = 14 : i64} {
  func.func @_mm_kern(%arg0: i32, %arg1: i32, %arg2: memref<1024x6xf32, #tpu.memory_space<vmem>>, %arg3: memref<6x16xf32, #tpu.memory_space<vmem>>, %arg4: memref<1x16xf32, #tpu.memory_space<vmem>>, %arg5: memref<1024x16xf32, #tpu.memory_space<vmem>>) attributes {dimension_semantics = [#tpu.dimension_semantics<arbitrary>, #tpu.dimension_semantics<arbitrary>], iteration_bounds = array<i64: 128, 1>, scalar_prefetch = 0 : i64, scratch_operands = 0 : i64, tpu.core_type = #tpu.core_type<tc>, window_params = [{transform_indices = @transform_0, window_bounds = array<i64: 1024, 6>}, {transform_indices = @transform_1, window_bounds = array<i64: 6, 16>}, {transform_indices = @transform_2, window_bounds = array<i64: 1, 16>}, {transform_indices = @transform_3, window_bounds = array<i64: 1024, 16>}]} {
    %get3A = arith.constant 0 : index
    %get3A_0 = arith.constant 0 : index
    %get3A_1 = vector.load %arg2[%get3A, %get3A_0] : memref<1024x6xf32, #tpu.memory_space<vmem>>, vector<1024x6xf32>
    %get3A_2 = arith.constant 0 : index
    %get3A_3 = arith.constant 0 : index
    %get3A_4 = vector.load %arg3[%get3A_2, %get3A_3] : memref<6x16xf32, #tpu.memory_space<vmem>>, vector<6x16xf32>
    %dot_general3A = arith.constant dense<0.000000e+00> : vector<1024x16xf32>
    %dot_general3A_5 = tpu.matmul %get3A_1, %get3A_4, %dot_general3A {dimension_numbers = #tpu.dot_dimension_numbers<[1], [0], [0], [1], [0, 0, 1, 1], [], []>, transpose_lhs_hint = false} : vector<1024x6xf32>, vector<6x16xf32>, vector<1024x16xf32> -> vector<1024x16xf32>
    %get3A_6 = arith.constant 0 : index
    %get3A_7 = arith.constant 0 : index
    %get3A_8 = vector.load %arg4[%get3A_6, %get3A_7] : memref<1x16xf32, #tpu.memory_space<vmem>>, vector<1x16xf32>
    %add3A = vector.broadcast %get3A_8 : vector<1x16xf32> to vector<1024x16xf32>
    %add3A_9 = arith.addf %dot_general3A_5, %add3A : vector<1024x16xf32>
    %max3A = arith.constant 0.000000e+00 : f32
    %max3A_10 = vector.broadcast %max3A : f32 to vector<1024x16xf32>
    %max3A_11 = arith.maximumf %add3A_9, %max3A_10 : vector<1024x16xf32>
    %mul3A = arith.constant 0.999994993 : f32
    %mul3A_12 = vector.broadcast %mul3A : f32 to vector<1024x16xf32>
    %mul3A_13 = arith.mulf %max3A_11, %mul3A_12 : vector<1024x16xf32>
    %swap3A = arith.constant 0 : index
    %swap3A_14 = arith.constant 0 : index
    %swap3A_15 = vector.load %arg5[%swap3A, %swap3A_14] : memref<1024x16xf32, #tpu.memory_space<vmem>>, vector<1024x16xf32>
    tpu.vector_store %arg5[%swap3A, %swap3A_14], %mul3A_13 {strides = array<i32>} : memref<1024x16xf32, #tpu.memory_space<vmem>>, vector<1024x16xf32>,
    return
  }
  func.func @transform_0(%arg0: i32, %arg1: i32) -> (i32, i32) {
    %c0_i32 = arith.constant 0 : i32
    %c0_i32_0 = arith.constant 0 : i32
    return %arg0, %c0_i32 : i32, i32
  }
  func.func @transform_1(%arg0: i32, %arg1: i32) -> (i32, i32) {
    %c0_i32 = arith.constant 0 : i32
    %c0_i32_0 = arith.constant 0 : i32
    return %c0_i32, %arg1 : i32, i32
  }
  func.func @transform_2(%arg0: i32, %arg1: i32) -> (i32, i32) {
    %c0_i32 = arith.constant 0 : i32
    %c0_i32_0 = arith.constant 0 : i32
    return %c0_i32, %arg1 : i32, i32
  }
  func.func @transform_3(%arg0: i32, %arg1: i32) -> (i32, i32) {
    %c0_i32 = arith.constant 0 : i32
    return %arg0, %arg1 : i32, i32
  }
}

module attributes {stable_mosaic.version = 14 : i64} {
  func.func @_mm_kern(%arg0: i32, %arg1: i32, %arg2: memref<1024x16xf32, #tpu.memory_space<vmem>>, %arg3: memref<16x16xf32, #tpu.memory_space<vmem>>, %arg4: memref<1x16xf32, #tpu.memory_space<vmem>>, %arg5: memref<1024x16xf32, #tpu.memory_space<vmem>>) attributes {dimension_semantics = [#tpu.dimension_semantics<arbitrary>, #tpu.dimension_semantics<arbitrary>], iteration_bounds = array<i64: 128, 1>, scalar_prefetch = 0 : i64, scratch_operands = 0 : i64, tpu.core_type = #tpu.core_type<tc>, window_params = [{transform_indices = @transform_0, window_bounds = array<i64: 1024, 16>}, {transform_indices = @transform_1, window_bounds = array<i64: 16, 16>}, {transform_indices = @transform_2, window_bounds = array<i64: 1, 16>}, {transform_indices = @transform_3, window_bounds = array<i64: 1024, 16>}]} {
    %get3A = arith.constant 0 : index
    %get3A_0 = arith.constant 0 : index
    %get3A_1 = vector.load %arg2[%get3A, %get3A_0] : memref<1024x16xf32, #tpu.memory_space<vmem>>, vector<1024x16xf32>
    %get3A_2 = arith.constant 0 : index
    %get3A_3 = arith.constant 0 : index
    %get3A_4 = vector.load %arg3[%get3A_2, %get3A_3] : memref<16x16xf32, #tpu.memory_space<vmem>>, vector<16x16xf32>
    %dot_general3A = arith.constant dense<0.000000e+00> : vector<1024x16xf32>
    %dot_general3A_5 = tpu.matmul %get3A_1, %get3A_4, %dot_general3A {dimension_numbers = #tpu.dot_dimension_numbers<[1], [0], [0], [1], [0, 0, 1, 1], [], []>, transpose_lhs_hint = false} : vector<1024x16xf32>, vector<16x16xf32>, vector<1024x16xf32> -> vector<1024x16xf32>
    %get3A_6 = arith.constant 0 : index
    %get3A_7 = arith.constant 0 : index
    %get3A_8 = vector.load %arg4[%get3A_6, %get3A_7] : memref<1x16xf32, #tpu.memory_space<vmem>>, vector<1x16xf32>
    %add3A = vector.broadcast %get3A_8 : vector<1x16xf32> to vector<1024x16xf32>
    %add3A_9 = arith.addf %dot_general3A_5, %add3A : vector<1024x16xf32>
    %max3A = arith.constant 0.000000e+00 : f32
    %max3A_10 = vector.broadcast %max3A : f32 to vector<1024x16xf32>
    %max3A_11 = arith.maximumf %add3A_9, %max3A_10 : vector<1024x16xf32>
    %mul3A = arith.constant 0.999994993 : f32
    %mul3A_12 = vector.broadcast %mul3A : f32 to vector<1024x16xf32>
    %mul3A_13 = arith.mulf %max3A_11, %mul3A_12 : vector<1024x16xf32>
    %swap3A = arith.constant 0 : index
    %swap3A_14 = arith.constant 0 : index
    %swap3A_15 = vector.load %arg5[%swap3A, %swap3A_14] : memref<1024x16xf32, #tpu.memory_space<vmem>>, vector<1024x16xf32>
    tpu.vector_store %arg5[%swap3A, %swap3A_14], %mul3A_13 {strides = array<i32>} : memref<1024x16xf32, #tpu.memory_space<vmem>>, vector<1024x16xf32>,
    return
  }
  func.func @transform_0(%arg0: i32, %arg1: i32) -> (i32, i32) {
    %c0_i32 = arith.constant 0 : i32
    %c0_i32_0 = arith.constant 0 : i32
    return %arg0, %c0_i32 : i32, i32
  }
  func.func @transform_1(%arg0: i32, %arg1: i32) -> (i32, i32) {
    %c0_i32 = arith.constant 0 : i32
    %c0_i32_0 = arith.constant 0 : i32
    return %c0_i32, %arg1 : i32, i32
  }
  func.func @transform_2(%arg0: i32, %arg1: i32) -> (i32, i32) {
    %c0_i32 = arith.constant 0 : i32
    %c0_i32_0 = arith.constant 0 : i32
    return %c0_i32, %arg1 : i32, i32
  }
  func.func @transform_3(%arg0: i32, %arg1: i32) -> (i32, i32) {
    %c0_i32 = arith.constant 0 : i32
    return %arg0, %arg1 : i32, i32
  }
}

module attributes {stable_mosaic.version = 14 : i64} {
  func.func @_mm_kern(%arg0: i32, %arg1: i32, %arg2: memref<1024x1xf32, #tpu.memory_space<vmem>>, %arg3: memref<1x8xf32, #tpu.memory_space<vmem>>, %arg4: memref<1x8xf32, #tpu.memory_space<vmem>>, %arg5: memref<1024x8xf32, #tpu.memory_space<vmem>>) attributes {dimension_semantics = [#tpu.dimension_semantics<arbitrary>, #tpu.dimension_semantics<arbitrary>], iteration_bounds = array<i64: 4, 1>, scalar_prefetch = 0 : i64, scratch_operands = 0 : i64, tpu.core_type = #tpu.core_type<tc>, window_params = [{transform_indices = @transform_0, window_bounds = array<i64: 1024, 1>}, {transform_indices = @transform_1, window_bounds = array<i64: 1, 8>}, {transform_indices = @transform_2, window_bounds = array<i64: 1, 8>}, {transform_indices = @transform_3, window_bounds = array<i64: 1024, 8>}]} {
    %get3A = arith.constant 0 : index
    %get3A_0 = arith.constant 0 : index
    %get3A_1 = vector.load %arg2[%get3A, %get3A_0] : memref<1024x1xf32, #tpu.memory_space<vmem>>, vector<1024x1xf32>
    %get3A_2 = arith.constant 0 : index
    %get3A_3 = arith.constant 0 : index
    %get3A_4 = vector.load %arg3[%get3A_2, %get3A_3] : memref<1x8xf32, #tpu.memory_space<vmem>>, vector<1x8xf32>
    %dot_general3A = arith.constant dense<0.000000e+00> : vector<1024x8xf32>
    %dot_general3A_5 = tpu.matmul %get3A_1, %get3A_4, %dot_general3A {dimension_numbers = #tpu.dot_dimension_numbers<[1], [0], [0], [1], [0, 0, 1, 1], [], []>, transpose_lhs_hint = false} : vector<1024x1xf32>, vector<1x8xf32>, vector<1024x8xf32> -> vector<1024x8xf32>
    %get3A_6 = arith.constant 0 : index
    %get3A_7 = arith.constant 0 : index
    %get3A_8 = vector.load %arg4[%get3A_6, %get3A_7] : memref<1x8xf32, #tpu.memory_space<vmem>>, vector<1x8xf32>
    %add3A = vector.broadcast %get3A_8 : vector<1x8xf32> to vector<1024x8xf32>
    %add3A_9 = arith.addf %dot_general3A_5, %add3A : vector<1024x8xf32>
    %max3A = arith.constant 0.000000e+00 : f32
    %max3A_10 = vector.broadcast %max3A : f32 to vector<1024x8xf32>
    %max3A_11 = arith.maximumf %add3A_9, %max3A_10 : vector<1024x8xf32>
    %mul3A = arith.constant 0.999994993 : f32
    %mul3A_12 = vector.broadcast %mul3A : f32 to vector<1024x8xf32>
    %mul3A_13 = arith.mulf %max3A_11, %mul3A_12 : vector<1024x8xf32>
    %swap3A = arith.constant 0 : index
    %swap3A_14 = arith.constant 0 : index
    %swap3A_15 = vector.load %arg5[%swap3A, %swap3A_14] : memref<1024x8xf32, #tpu.memory_space<vmem>>, vector<1024x8xf32>
    tpu.vector_store %arg5[%swap3A, %swap3A_14], %mul3A_13 {strides = array<i32>} : memref<1024x8xf32, #tpu.memory_space<vmem>>, vector<1024x8xf32>,
    return
  }
  func.func @transform_0(%arg0: i32, %arg1: i32) -> (i32, i32) {
    %c0_i32 = arith.constant 0 : i32
    %c0_i32_0 = arith.constant 0 : i32
    return %arg0, %c0_i32 : i32, i32
  }
  func.func @transform_1(%arg0: i32, %arg1: i32) -> (i32, i32) {
    %c0_i32 = arith.constant 0 : i32
    %c0_i32_0 = arith.constant 0 : i32
    return %c0_i32, %arg1 : i32, i32
  }
  func.func @transform_2(%arg0: i32, %arg1: i32) -> (i32, i32) {
    %c0_i32 = arith.constant 0 : i32
    %c0_i32_0 = arith.constant 0 : i32
    return %c0_i32, %arg1 : i32, i32
  }
  func.func @transform_3(%arg0: i32, %arg1: i32) -> (i32, i32) {
    %c0_i32 = arith.constant 0 : i32
    return %arg0, %arg1 : i32, i32
  }
}

module attributes {stable_mosaic.version = 14 : i64} {
  func.func @_mm_kern(%arg0: i32, %arg1: i32, %arg2: memref<1024x8xf32, #tpu.memory_space<vmem>>, %arg3: memref<8x1xf32, #tpu.memory_space<vmem>>, %arg4: memref<1x1xf32, #tpu.memory_space<vmem>>, %arg5: memref<1024x1xf32, #tpu.memory_space<vmem>>) attributes {dimension_semantics = [#tpu.dimension_semantics<arbitrary>, #tpu.dimension_semantics<arbitrary>], iteration_bounds = array<i64: 4, 1>, scalar_prefetch = 0 : i64, scratch_operands = 0 : i64, tpu.core_type = #tpu.core_type<tc>, window_params = [{transform_indices = @transform_0, window_bounds = array<i64: 1024, 8>}, {transform_indices = @transform_1, window_bounds = array<i64: 8, 1>}, {transform_indices = @transform_2, window_bounds = array<i64: 1, 1>}, {transform_indices = @transform_3, window_bounds = array<i64: 1024, 1>}]} {
    %get3A = arith.constant 0 : index
    %get3A_0 = arith.constant 0 : index
    %get3A_1 = vector.load %arg2[%get3A, %get3A_0] : memref<1024x8xf32, #tpu.memory_space<vmem>>, vector<1024x8xf32>
    %get3A_2 = arith.constant 0 : index
    %get3A_3 = arith.constant 0 : index
    %get3A_4 = vector.load %arg3[%get3A_2, %get3A_3] : memref<8x1xf32, #tpu.memory_space<vmem>>, vector<8x1xf32>
    %dot_general3A = arith.constant dense<0.000000e+00> : vector<1024x1xf32>
    %dot_general3A_5 = tpu.matmul %get3A_1, %get3A_4, %dot_general3A {dimension_numbers = #tpu.dot_dimension_numbers<[1], [0], [0], [1], [0, 0, 1, 1], [], []>, transpose_lhs_hint = false} : vector<1024x8xf32>, vector<8x1xf32>, vector<1024x1xf32> -> vector<1024x1xf32>
    %get3A_6 = arith.constant 0 : index
    %get3A_7 = arith.constant 0 : index
    %get3A_8 = vector.load %arg4[%get3A_6, %get3A_7] : memref<1x1xf32, #tpu.memory_space<vmem>>, vector<1x1xf32>
    %add3A = vector.broadcast %get3A_8 : vector<1x1xf32> to vector<1024x1xf32>
    %add3A_9 = arith.addf %dot_general3A_5, %add3A : vector<1024x1xf32>
    %max3A = arith.constant 0.000000e+00 : f32
    %max3A_10 = vector.broadcast %max3A : f32 to vector<1024x1xf32>
    %max3A_11 = arith.maximumf %add3A_9, %max3A_10 : vector<1024x1xf32>
    %mul3A = arith.constant 0.999994993 : f32
    %mul3A_12 = vector.broadcast %mul3A : f32 to vector<1024x1xf32>
    %mul3A_13 = arith.mulf %max3A_11, %mul3A_12 : vector<1024x1xf32>
    %swap3A = arith.constant 0 : index
    %swap3A_14 = arith.constant 0 : index
    %swap3A_15 = vector.load %arg5[%swap3A, %swap3A_14] : memref<1024x1xf32, #tpu.memory_space<vmem>>, vector<1024x1xf32>
    tpu.vector_store %arg5[%swap3A, %swap3A_14], %mul3A_13 {strides = array<i32>} : memref<1024x1xf32, #tpu.memory_space<vmem>>, vector<1024x1xf32>,
    return
  }
  func.func @transform_0(%arg0: i32, %arg1: i32) -> (i32, i32) {
    %c0_i32 = arith.constant 0 : i32
    %c0_i32_0 = arith.constant 0 : i32
    return %arg0, %c0_i32 : i32, i32
  }
  func.func @transform_1(%arg0: i32, %arg1: i32) -> (i32, i32) {
    %c0_i32 = arith.constant 0 : i32
    %c0_i32_0 = arith.constant 0 : i32
    return %c0_i32, %arg1 : i32, i32
  }
  func.func @transform_2(%arg0: i32, %arg1: i32) -> (i32, i32) {
    %c0_i32 = arith.constant 0 : i32
    %c0_i32_0 = arith.constant 0 : i32
    return %c0_i32, %arg1 : i32, i32
  }
  func.func @transform_3(%arg0: i32, %arg1: i32) -> (i32, i32) {
    %c0_i32 = arith.constant 0 : i32
    return %arg0, %arg1 : i32, i32
  }
}

module attributes {stable_mosaic.version = 14 : i64} {
  func.func @_mm_kern(%arg0: i32, %arg1: i32, %arg2: memref<1024x3xf32, #tpu.memory_space<vmem>>, %arg3: memref<3x8xf32, #tpu.memory_space<vmem>>, %arg4: memref<1x8xf32, #tpu.memory_space<vmem>>, %arg5: memref<1024x8xf32, #tpu.memory_space<vmem>>) attributes {dimension_semantics = [#tpu.dimension_semantics<arbitrary>, #tpu.dimension_semantics<arbitrary>], iteration_bounds = array<i64: 128, 1>, scalar_prefetch = 0 : i64, scratch_operands = 0 : i64, tpu.core_type = #tpu.core_type<tc>, window_params = [{transform_indices = @transform_0, window_bounds = array<i64: 1024, 3>}, {transform_indices = @transform_1, window_bounds = array<i64: 3, 8>}, {transform_indices = @transform_2, window_bounds = array<i64: 1, 8>}, {transform_indices = @transform_3, window_bounds = array<i64: 1024, 8>}]} {
    %get3A = arith.constant 0 : index
    %get3A_0 = arith.constant 0 : index
    %get3A_1 = vector.load %arg2[%get3A, %get3A_0] : memref<1024x3xf32, #tpu.memory_space<vmem>>, vector<1024x3xf32>
    %get3A_2 = arith.constant 0 : index
    %get3A_3 = arith.constant 0 : index
    %get3A_4 = vector.load %arg3[%get3A_2, %get3A_3] : memref<3x8xf32, #tpu.memory_space<vmem>>, vector<3x8xf32>
    %dot_general3A = arith.constant dense<0.000000e+00> : vector<1024x8xf32>
    %dot_general3A_5 = tpu.matmul %get3A_1, %get3A_4, %dot_general3A {dimension_numbers = #tpu.dot_dimension_numbers<[1], [0], [0], [1], [0, 0, 1, 1], [], []>, transpose_lhs_hint = false} : vector<1024x3xf32>, vector<3x8xf32>, vector<1024x8xf32> -> vector<1024x8xf32>
    %get3A_6 = arith.constant 0 : index
    %get3A_7 = arith.constant 0 : index
    %get3A_8 = vector.load %arg4[%get3A_6, %get3A_7] : memref<1x8xf32, #tpu.memory_space<vmem>>, vector<1x8xf32>
    %add3A = vector.broadcast %get3A_8 : vector<1x8xf32> to vector<1024x8xf32>
    %add3A_9 = arith.addf %dot_general3A_5, %add3A : vector<1024x8xf32>
    %max3A = arith.constant 0.000000e+00 : f32
    %max3A_10 = vector.broadcast %max3A : f32 to vector<1024x8xf32>
    %max3A_11 = arith.maximumf %add3A_9, %max3A_10 : vector<1024x8xf32>
    %mul3A = arith.constant 0.999994993 : f32
    %mul3A_12 = vector.broadcast %mul3A : f32 to vector<1024x8xf32>
    %mul3A_13 = arith.mulf %max3A_11, %mul3A_12 : vector<1024x8xf32>
    %swap3A = arith.constant 0 : index
    %swap3A_14 = arith.constant 0 : index
    %swap3A_15 = vector.load %arg5[%swap3A, %swap3A_14] : memref<1024x8xf32, #tpu.memory_space<vmem>>, vector<1024x8xf32>
    tpu.vector_store %arg5[%swap3A, %swap3A_14], %mul3A_13 {strides = array<i32>} : memref<1024x8xf32, #tpu.memory_space<vmem>>, vector<1024x8xf32>,
    return
  }
  func.func @transform_0(%arg0: i32, %arg1: i32) -> (i32, i32) {
    %c0_i32 = arith.constant 0 : i32
    %c0_i32_0 = arith.constant 0 : i32
    return %arg0, %c0_i32 : i32, i32
  }
  func.func @transform_1(%arg0: i32, %arg1: i32) -> (i32, i32) {
    %c0_i32 = arith.constant 0 : i32
    %c0_i32_0 = arith.constant 0 : i32
    return %c0_i32, %arg1 : i32, i32
  }
  func.func @transform_2(%arg0: i32, %arg1: i32) -> (i32, i32) {
    %c0_i32 = arith.constant 0 : i32
    %c0_i32_0 = arith.constant 0 : i32
    return %c0_i32, %arg1 : i32, i32
  }
  func.func @transform_3(%arg0: i32, %arg1: i32) -> (i32, i32) {
    %c0_i32 = arith.constant 0 : i32
    return %arg0, %arg1 : i32, i32
  }
}

module attributes {stable_mosaic.version = 14 : i64} {
  func.func @_mm_kern(%arg0: i32, %arg1: i32, %arg2: memref<1024x8xf32, #tpu.memory_space<vmem>>, %arg3: memref<8x4xf32, #tpu.memory_space<vmem>>, %arg4: memref<1x4xf32, #tpu.memory_space<vmem>>, %arg5: memref<1024x4xf32, #tpu.memory_space<vmem>>) attributes {dimension_semantics = [#tpu.dimension_semantics<arbitrary>, #tpu.dimension_semantics<arbitrary>], iteration_bounds = array<i64: 128, 1>, scalar_prefetch = 0 : i64, scratch_operands = 0 : i64, tpu.core_type = #tpu.core_type<tc>, window_params = [{transform_indices = @transform_0, window_bounds = array<i64: 1024, 8>}, {transform_indices = @transform_1, window_bounds = array<i64: 8, 4>}, {transform_indices = @transform_2, window_bounds = array<i64: 1, 4>}, {transform_indices = @transform_3, window_bounds = array<i64: 1024, 4>}]} {
    %get3A = arith.constant 0 : index
    %get3A_0 = arith.constant 0 : index
    %get3A_1 = vector.load %arg2[%get3A, %get3A_0] : memref<1024x8xf32, #tpu.memory_space<vmem>>, vector<1024x8xf32>
    %get3A_2 = arith.constant 0 : index
    %get3A_3 = arith.constant 0 : index
    %get3A_4 = vector.load %arg3[%get3A_2, %get3A_3] : memref<8x4xf32, #tpu.memory_space<vmem>>, vector<8x4xf32>
    %dot_general3A = arith.constant dense<0.000000e+00> : vector<1024x4xf32>
    %dot_general3A_5 = tpu.matmul %get3A_1, %get3A_4, %dot_general3A {dimension_numbers = #tpu.dot_dimension_numbers<[1], [0], [0], [1], [0, 0, 1, 1], [], []>, transpose_lhs_hint = false} : vector<1024x8xf32>, vector<8x4xf32>, vector<1024x4xf32> -> vector<1024x4xf32>
    %get3A_6 = arith.constant 0 : index
    %get3A_7 = arith.constant 0 : index
    %get3A_8 = vector.load %arg4[%get3A_6, %get3A_7] : memref<1x4xf32, #tpu.memory_space<vmem>>, vector<1x4xf32>
    %add3A = vector.broadcast %get3A_8 : vector<1x4xf32> to vector<1024x4xf32>
    %add3A_9 = arith.addf %dot_general3A_5, %add3A : vector<1024x4xf32>
    %max3A = arith.constant 0.000000e+00 : f32
    %max3A_10 = vector.broadcast %max3A : f32 to vector<1024x4xf32>
    %max3A_11 = arith.maximumf %add3A_9, %max3A_10 : vector<1024x4xf32>
    %mul3A = arith.constant 0.999994993 : f32
    %mul3A_12 = vector.broadcast %mul3A : f32 to vector<1024x4xf32>
    %mul3A_13 = arith.mulf %max3A_11, %mul3A_12 : vector<1024x4xf32>
    %swap3A = arith.constant 0 : index
    %swap3A_14 = arith.constant 0 : index
    %swap3A_15 = vector.load %arg5[%swap3A, %swap3A_14] : memref<1024x4xf32, #tpu.memory_space<vmem>>, vector<1024x4xf32>
    tpu.vector_store %arg5[%swap3A, %swap3A_14], %mul3A_13 {strides = array<i32>} : memref<1024x4xf32, #tpu.memory_space<vmem>>, vector<1024x4xf32>,
    return
  }
  func.func @transform_0(%arg0: i32, %arg1: i32) -> (i32, i32) {
    %c0_i32 = arith.constant 0 : i32
    %c0_i32_0 = arith.constant 0 : i32
    return %arg0, %c0_i32 : i32, i32
  }
  func.func @transform_1(%arg0: i32, %arg1: i32) -> (i32, i32) {
    %c0_i32 = arith.constant 0 : i32
    %c0_i32_0 = arith.constant 0 : i32
    return %c0_i32, %arg1 : i32, i32
  }
  func.func @transform_2(%arg0: i32, %arg1: i32) -> (i32, i32) {
    %c0_i32 = arith.constant 0 : i32
    %c0_i32_0 = arith.constant 0 : i32
    return %c0_i32, %arg1 : i32, i32
  }
  func.func @transform_3(%arg0: i32, %arg1: i32) -> (i32, i32) {
    %c0_i32 = arith.constant 0 : i32
    return %arg0, %arg1 : i32, i32
  }
}

module attributes {stable_mosaic.version = 14 : i64} {
  func.func @_mm_kern(%arg0: i32, %arg1: i32, %arg2: memref<1024x64xf32, #tpu.memory_space<vmem>>, %arg3: memref<64x256xf32, #tpu.memory_space<vmem>>, %arg4: memref<1x256xf32, #tpu.memory_space<vmem>>, %arg5: memref<1024x256xf32, #tpu.memory_space<vmem>>) attributes {dimension_semantics = [#tpu.dimension_semantics<arbitrary>, #tpu.dimension_semantics<arbitrary>], iteration_bounds = array<i64: 4, 1>, scalar_prefetch = 0 : i64, scratch_operands = 0 : i64, tpu.core_type = #tpu.core_type<tc>, window_params = [{transform_indices = @transform_0, window_bounds = array<i64: 1024, 64>}, {transform_indices = @transform_1, window_bounds = array<i64: 64, 256>}, {transform_indices = @transform_2, window_bounds = array<i64: 1, 256>}, {transform_indices = @transform_3, window_bounds = array<i64: 1024, 256>}]} {
    %get3A = arith.constant 0 : index
    %get3A_0 = arith.constant 0 : index
    %get3A_1 = vector.load %arg2[%get3A, %get3A_0] : memref<1024x64xf32, #tpu.memory_space<vmem>>, vector<1024x64xf32>
    %get3A_2 = arith.constant 0 : index
    %get3A_3 = arith.constant 0 : index
    %get3A_4 = vector.load %arg3[%get3A_2, %get3A_3] : memref<64x256xf32, #tpu.memory_space<vmem>>, vector<64x256xf32>
    %dot_general3A = arith.constant dense<0.000000e+00> : vector<1024x256xf32>
    %dot_general3A_5 = tpu.matmul %get3A_1, %get3A_4, %dot_general3A {dimension_numbers = #tpu.dot_dimension_numbers<[1], [0], [0], [1], [0, 0, 1, 1], [], []>, transpose_lhs_hint = false} : vector<1024x64xf32>, vector<64x256xf32>, vector<1024x256xf32> -> vector<1024x256xf32>
    %get3A_6 = arith.constant 0 : index
    %get3A_7 = arith.constant 0 : index
    %get3A_8 = vector.load %arg4[%get3A_6, %get3A_7] : memref<1x256xf32, #tpu.memory_space<vmem>>, vector<1x256xf32>
    %add3A = vector.broadcast %get3A_8 : vector<1x256xf32> to vector<1024x256xf32>
    %add3A_9 = arith.addf %dot_general3A_5, %add3A : vector<1024x256xf32>
    %max3A = arith.constant 0.000000e+00 : f32
    %max3A_10 = vector.broadcast %max3A : f32 to vector<1024x256xf32>
    %max3A_11 = arith.maximumf %add3A_9, %max3A_10 : vector<1024x256xf32>
    %mul3A = arith.constant 0.999994993 : f32
    %mul3A_12 = vector.broadcast %mul3A : f32 to vector<1024x256xf32>
    %mul3A_13 = arith.mulf %max3A_11, %mul3A_12 : vector<1024x256xf32>
    %swap3A = arith.constant 0 : index
    %swap3A_14 = arith.constant 0 : index
    %swap3A_15 = vector.load %arg5[%swap3A, %swap3A_14] : memref<1024x256xf32, #tpu.memory_space<vmem>>, vector<1024x256xf32>
    tpu.vector_store %arg5[%swap3A, %swap3A_14], %mul3A_13 {strides = array<i32>} : memref<1024x256xf32, #tpu.memory_space<vmem>>, vector<1024x256xf32>,
    return
  }
  func.func @transform_0(%arg0: i32, %arg1: i32) -> (i32, i32) {
    %c0_i32 = arith.constant 0 : i32
    %c0_i32_0 = arith.constant 0 : i32
    return %arg0, %c0_i32 : i32, i32
  }
  func.func @transform_1(%arg0: i32, %arg1: i32) -> (i32, i32) {
    %c0_i32 = arith.constant 0 : i32
    %c0_i32_0 = arith.constant 0 : i32
    return %c0_i32, %arg1 : i32, i32
  }
  func.func @transform_2(%arg0: i32, %arg1: i32) -> (i32, i32) {
    %c0_i32 = arith.constant 0 : i32
    %c0_i32_0 = arith.constant 0 : i32
    return %c0_i32, %arg1 : i32, i32
  }
  func.func @transform_3(%arg0: i32, %arg1: i32) -> (i32, i32) {
    %c0_i32 = arith.constant 0 : i32
    return %arg0, %arg1 : i32, i32
  }
}

module attributes {stable_mosaic.version = 14 : i64} {
  func.func @_mm_kern(%arg0: i32, %arg1: i32, %arg2: memref<1024x256xf32, #tpu.memory_space<vmem>>, %arg3: memref<256x256xf32, #tpu.memory_space<vmem>>, %arg4: memref<1x256xf32, #tpu.memory_space<vmem>>, %arg5: memref<1024x256xf32, #tpu.memory_space<vmem>>) attributes {dimension_semantics = [#tpu.dimension_semantics<arbitrary>, #tpu.dimension_semantics<arbitrary>], iteration_bounds = array<i64: 4, 1>, scalar_prefetch = 0 : i64, scratch_operands = 0 : i64, tpu.core_type = #tpu.core_type<tc>, window_params = [{transform_indices = @transform_0, window_bounds = array<i64: 1024, 256>}, {transform_indices = @transform_1, window_bounds = array<i64: 256, 256>}, {transform_indices = @transform_2, window_bounds = array<i64: 1, 256>}, {transform_indices = @transform_3, window_bounds = array<i64: 1024, 256>}]} {
    %get3A = arith.constant 0 : index
    %get3A_0 = arith.constant 0 : index
    %get3A_1 = vector.load %arg2[%get3A, %get3A_0] : memref<1024x256xf32, #tpu.memory_space<vmem>>, vector<1024x256xf32>
    %get3A_2 = arith.constant 0 : index
    %get3A_3 = arith.constant 0 : index
    %get3A_4 = vector.load %arg3[%get3A_2, %get3A_3] : memref<256x256xf32, #tpu.memory_space<vmem>>, vector<256x256xf32>
    %dot_general3A = arith.constant dense<0.000000e+00> : vector<1024x256xf32>
    %dot_general3A_5 = tpu.matmul %get3A_1, %get3A_4, %dot_general3A {dimension_numbers = #tpu.dot_dimension_numbers<[1], [0], [0], [1], [0, 0, 1, 1], [], []>, transpose_lhs_hint = false} : vector<1024x256xf32>, vector<256x256xf32>, vector<1024x256xf32> -> vector<1024x256xf32>
    %get3A_6 = arith.constant 0 : index
    %get3A_7 = arith.constant 0 : index
    %get3A_8 = vector.load %arg4[%get3A_6, %get3A_7] : memref<1x256xf32, #tpu.memory_space<vmem>>, vector<1x256xf32>
    %add3A = vector.broadcast %get3A_8 : vector<1x256xf32> to vector<1024x256xf32>
    %add3A_9 = arith.addf %dot_general3A_5, %add3A : vector<1024x256xf32>
    %max3A = arith.constant 0.000000e+00 : f32
    %max3A_10 = vector.broadcast %max3A : f32 to vector<1024x256xf32>
    %max3A_11 = arith.maximumf %add3A_9, %max3A_10 : vector<1024x256xf32>
    %mul3A = arith.constant 0.999994993 : f32
    %mul3A_12 = vector.broadcast %mul3A : f32 to vector<1024x256xf32>
    %mul3A_13 = arith.mulf %max3A_11, %mul3A_12 : vector<1024x256xf32>
    %swap3A = arith.constant 0 : index
    %swap3A_14 = arith.constant 0 : index
    %swap3A_15 = vector.load %arg5[%swap3A, %swap3A_14] : memref<1024x256xf32, #tpu.memory_space<vmem>>, vector<1024x256xf32>
    tpu.vector_store %arg5[%swap3A, %swap3A_14], %mul3A_13 {strides = array<i32>} : memref<1024x256xf32, #tpu.memory_space<vmem>>, vector<1024x256xf32>,
    return
  }
  func.func @transform_0(%arg0: i32, %arg1: i32) -> (i32, i32) {
    %c0_i32 = arith.constant 0 : i32
    %c0_i32_0 = arith.constant 0 : i32
    return %arg0, %c0_i32 : i32, i32
  }
  func.func @transform_1(%arg0: i32, %arg1: i32) -> (i32, i32) {
    %c0_i32 = arith.constant 0 : i32
    %c0_i32_0 = arith.constant 0 : i32
    return %c0_i32, %arg1 : i32, i32
  }
  func.func @transform_2(%arg0: i32, %arg1: i32) -> (i32, i32) {
    %c0_i32 = arith.constant 0 : i32
    %c0_i32_0 = arith.constant 0 : i32
    return %c0_i32, %arg1 : i32, i32
  }
  func.func @transform_3(%arg0: i32, %arg1: i32) -> (i32, i32) {
    %c0_i32 = arith.constant 0 : i32
    return %arg0, %arg1 : i32, i32
  }
}

module attributes {stable_mosaic.version = 14 : i64} {
  func.func @_mm_kern(%arg0: i32, %arg1: i32, %arg2: memref<1024x1xf32, #tpu.memory_space<vmem>>, %arg3: memref<1x8xf32, #tpu.memory_space<vmem>>, %arg4: memref<1x8xf32, #tpu.memory_space<vmem>>, %arg5: memref<1024x8xf32, #tpu.memory_space<vmem>>) attributes {dimension_semantics = [#tpu.dimension_semantics<arbitrary>, #tpu.dimension_semantics<arbitrary>], iteration_bounds = array<i64: 1, 1>, scalar_prefetch = 0 : i64, scratch_operands = 0 : i64, tpu.core_type = #tpu.core_type<tc>, window_params = [{transform_indices = @transform_0, window_bounds = array<i64: 1024, 1>}, {transform_indices = @transform_1, window_bounds = array<i64: 1, 8>}, {transform_indices = @transform_2, window_bounds = array<i64: 1, 8>}, {transform_indices = @transform_3, window_bounds = array<i64: 1024, 8>}]} {
    %get3A = arith.constant 0 : index
    %get3A_0 = arith.constant 0 : index
    %get3A_1 = vector.load %arg2[%get3A, %get3A_0] : memref<1024x1xf32, #tpu.memory_space<vmem>>, vector<1024x1xf32>
    %get3A_2 = arith.constant 0 : index
    %get3A_3 = arith.constant 0 : index
    %get3A_4 = vector.load %arg3[%get3A_2, %get3A_3] : memref<1x8xf32, #tpu.memory_space<vmem>>, vector<1x8xf32>
    %dot_general3A = arith.constant dense<0.000000e+00> : vector<1024x8xf32>
    %dot_general3A_5 = tpu.matmul %get3A_1, %get3A_4, %dot_general3A {dimension_numbers = #tpu.dot_dimension_numbers<[1], [0], [0], [1], [0, 0, 1, 1], [], []>, transpose_lhs_hint = false} : vector<1024x1xf32>, vector<1x8xf32>, vector<1024x8xf32> -> vector<1024x8xf32>
    %get3A_6 = arith.constant 0 : index
    %get3A_7 = arith.constant 0 : index
    %get3A_8 = vector.load %arg4[%get3A_6, %get3A_7] : memref<1x8xf32, #tpu.memory_space<vmem>>, vector<1x8xf32>
    %add3A = vector.broadcast %get3A_8 : vector<1x8xf32> to vector<1024x8xf32>
    %add3A_9 = arith.addf %dot_general3A_5, %add3A : vector<1024x8xf32>
    %max3A = arith.constant 0.000000e+00 : f32
    %max3A_10 = vector.broadcast %max3A : f32 to vector<1024x8xf32>
    %max3A_11 = arith.maximumf %add3A_9, %max3A_10 : vector<1024x8xf32>
    %mul3A = arith.constant 0.999994993 : f32
    %mul3A_12 = vector.broadcast %mul3A : f32 to vector<1024x8xf32>
    %mul3A_13 = arith.mulf %max3A_11, %mul3A_12 : vector<1024x8xf32>
    %swap3A = arith.constant 0 : index
    %swap3A_14 = arith.constant 0 : index
    %swap3A_15 = vector.load %arg5[%swap3A, %swap3A_14] : memref<1024x8xf32, #tpu.memory_space<vmem>>, vector<1024x8xf32>
    tpu.vector_store %arg5[%swap3A, %swap3A_14], %mul3A_13 {strides = array<i32>} : memref<1024x8xf32, #tpu.memory_space<vmem>>, vector<1024x8xf32>,
    return
  }
  func.func @transform_0(%arg0: i32, %arg1: i32) -> (i32, i32) {
    %c0_i32 = arith.constant 0 : i32
    %c0_i32_0 = arith.constant 0 : i32
    return %arg0, %c0_i32 : i32, i32
  }
  func.func @transform_1(%arg0: i32, %arg1: i32) -> (i32, i32) {
    %c0_i32 = arith.constant 0 : i32
    %c0_i32_0 = arith.constant 0 : i32
    return %c0_i32, %arg1 : i32, i32
  }
  func.func @transform_2(%arg0: i32, %arg1: i32) -> (i32, i32) {
    %c0_i32 = arith.constant 0 : i32
    %c0_i32_0 = arith.constant 0 : i32
    return %c0_i32, %arg1 : i32, i32
  }
  func.func @transform_3(%arg0: i32, %arg1: i32) -> (i32, i32) {
    %c0_i32 = arith.constant 0 : i32
    return %arg0, %arg1 : i32, i32
  }
}

module attributes {stable_mosaic.version = 14 : i64} {
  func.func @_mm_kern(%arg0: i32, %arg1: i32, %arg2: memref<1024x8xf32, #tpu.memory_space<vmem>>, %arg3: memref<8x1xf32, #tpu.memory_space<vmem>>, %arg4: memref<1x1xf32, #tpu.memory_space<vmem>>, %arg5: memref<1024x1xf32, #tpu.memory_space<vmem>>) attributes {dimension_semantics = [#tpu.dimension_semantics<arbitrary>, #tpu.dimension_semantics<arbitrary>], iteration_bounds = array<i64: 1, 1>, scalar_prefetch = 0 : i64, scratch_operands = 0 : i64, tpu.core_type = #tpu.core_type<tc>, window_params = [{transform_indices = @transform_0, window_bounds = array<i64: 1024, 8>}, {transform_indices = @transform_1, window_bounds = array<i64: 8, 1>}, {transform_indices = @transform_2, window_bounds = array<i64: 1, 1>}, {transform_indices = @transform_3, window_bounds = array<i64: 1024, 1>}]} {
    %get3A = arith.constant 0 : index
    %get3A_0 = arith.constant 0 : index
    %get3A_1 = vector.load %arg2[%get3A, %get3A_0] : memref<1024x8xf32, #tpu.memory_space<vmem>>, vector<1024x8xf32>
    %get3A_2 = arith.constant 0 : index
    %get3A_3 = arith.constant 0 : index
    %get3A_4 = vector.load %arg3[%get3A_2, %get3A_3] : memref<8x1xf32, #tpu.memory_space<vmem>>, vector<8x1xf32>
    %dot_general3A = arith.constant dense<0.000000e+00> : vector<1024x1xf32>
    %dot_general3A_5 = tpu.matmul %get3A_1, %get3A_4, %dot_general3A {dimension_numbers = #tpu.dot_dimension_numbers<[1], [0], [0], [1], [0, 0, 1, 1], [], []>, transpose_lhs_hint = false} : vector<1024x8xf32>, vector<8x1xf32>, vector<1024x1xf32> -> vector<1024x1xf32>
    %get3A_6 = arith.constant 0 : index
    %get3A_7 = arith.constant 0 : index
    %get3A_8 = vector.load %arg4[%get3A_6, %get3A_7] : memref<1x1xf32, #tpu.memory_space<vmem>>, vector<1x1xf32>
    %add3A = vector.broadcast %get3A_8 : vector<1x1xf32> to vector<1024x1xf32>
    %add3A_9 = arith.addf %dot_general3A_5, %add3A : vector<1024x1xf32>
    %max3A = arith.constant 0.000000e+00 : f32
    %max3A_10 = vector.broadcast %max3A : f32 to vector<1024x1xf32>
    %max3A_11 = arith.maximumf %add3A_9, %max3A_10 : vector<1024x1xf32>
    %mul3A = arith.constant 0.999994993 : f32
    %mul3A_12 = vector.broadcast %mul3A : f32 to vector<1024x1xf32>
    %mul3A_13 = arith.mulf %max3A_11, %mul3A_12 : vector<1024x1xf32>
    %swap3A = arith.constant 0 : index
    %swap3A_14 = arith.constant 0 : index
    %swap3A_15 = vector.load %arg5[%swap3A, %swap3A_14] : memref<1024x1xf32, #tpu.memory_space<vmem>>, vector<1024x1xf32>
    tpu.vector_store %arg5[%swap3A, %swap3A_14], %mul3A_13 {strides = array<i32>} : memref<1024x1xf32, #tpu.memory_space<vmem>>, vector<1024x1xf32>,
    return
  }
  func.func @transform_0(%arg0: i32, %arg1: i32) -> (i32, i32) {
    %c0_i32 = arith.constant 0 : i32
    %c0_i32_0 = arith.constant 0 : i32
    return %arg0, %c0_i32 : i32, i32
  }
  func.func @transform_1(%arg0: i32, %arg1: i32) -> (i32, i32) {
    %c0_i32 = arith.constant 0 : i32
    %c0_i32_0 = arith.constant 0 : i32
    return %c0_i32, %arg1 : i32, i32
  }
  func.func @transform_2(%arg0: i32, %arg1: i32) -> (i32, i32) {
    %c0_i32 = arith.constant 0 : i32
    %c0_i32_0 = arith.constant 0 : i32
    return %c0_i32, %arg1 : i32, i32
  }
  func.func @transform_3(%arg0: i32, %arg1: i32) -> (i32, i32) {
    %c0_i32 = arith.constant 0 : i32
    return %arg0, %arg1 : i32, i32
  }
}

module attributes {stable_mosaic.version = 14 : i64} {
  func.func @_mm_kern(%arg0: i32, %arg1: i32, %arg2: memref<1024x3xf32, #tpu.memory_space<vmem>>, %arg3: memref<3x8xf32, #tpu.memory_space<vmem>>, %arg4: memref<1x8xf32, #tpu.memory_space<vmem>>, %arg5: memref<1024x8xf32, #tpu.memory_space<vmem>>) attributes {dimension_semantics = [#tpu.dimension_semantics<arbitrary>, #tpu.dimension_semantics<arbitrary>], iteration_bounds = array<i64: 64, 1>, scalar_prefetch = 0 : i64, scratch_operands = 0 : i64, tpu.core_type = #tpu.core_type<tc>, window_params = [{transform_indices = @transform_0, window_bounds = array<i64: 1024, 3>}, {transform_indices = @transform_1, window_bounds = array<i64: 3, 8>}, {transform_indices = @transform_2, window_bounds = array<i64: 1, 8>}, {transform_indices = @transform_3, window_bounds = array<i64: 1024, 8>}]} {
    %get3A = arith.constant 0 : index
    %get3A_0 = arith.constant 0 : index
    %get3A_1 = vector.load %arg2[%get3A, %get3A_0] : memref<1024x3xf32, #tpu.memory_space<vmem>>, vector<1024x3xf32>
    %get3A_2 = arith.constant 0 : index
    %get3A_3 = arith.constant 0 : index
    %get3A_4 = vector.load %arg3[%get3A_2, %get3A_3] : memref<3x8xf32, #tpu.memory_space<vmem>>, vector<3x8xf32>
    %dot_general3A = arith.constant dense<0.000000e+00> : vector<1024x8xf32>
    %dot_general3A_5 = tpu.matmul %get3A_1, %get3A_4, %dot_general3A {dimension_numbers = #tpu.dot_dimension_numbers<[1], [0], [0], [1], [0, 0, 1, 1], [], []>, transpose_lhs_hint = false} : vector<1024x3xf32>, vector<3x8xf32>, vector<1024x8xf32> -> vector<1024x8xf32>
    %get3A_6 = arith.constant 0 : index
    %get3A_7 = arith.constant 0 : index
    %get3A_8 = vector.load %arg4[%get3A_6, %get3A_7] : memref<1x8xf32, #tpu.memory_space<vmem>>, vector<1x8xf32>
    %add3A = vector.broadcast %get3A_8 : vector<1x8xf32> to vector<1024x8xf32>
    %add3A_9 = arith.addf %dot_general3A_5, %add3A : vector<1024x8xf32>
    %max3A = arith.constant 0.000000e+00 : f32
    %max3A_10 = vector.broadcast %max3A : f32 to vector<1024x8xf32>
    %max3A_11 = arith.maximumf %add3A_9, %max3A_10 : vector<1024x8xf32>
    %mul3A = arith.constant 0.999994993 : f32
    %mul3A_12 = vector.broadcast %mul3A : f32 to vector<1024x8xf32>
    %mul3A_13 = arith.mulf %max3A_11, %mul3A_12 : vector<1024x8xf32>
    %swap3A = arith.constant 0 : index
    %swap3A_14 = arith.constant 0 : index
    %swap3A_15 = vector.load %arg5[%swap3A, %swap3A_14] : memref<1024x8xf32, #tpu.memory_space<vmem>>, vector<1024x8xf32>
    tpu.vector_store %arg5[%swap3A, %swap3A_14], %mul3A_13 {strides = array<i32>} : memref<1024x8xf32, #tpu.memory_space<vmem>>, vector<1024x8xf32>,
    return
  }
  func.func @transform_0(%arg0: i32, %arg1: i32) -> (i32, i32) {
    %c0_i32 = arith.constant 0 : i32
    %c0_i32_0 = arith.constant 0 : i32
    return %arg0, %c0_i32 : i32, i32
  }
  func.func @transform_1(%arg0: i32, %arg1: i32) -> (i32, i32) {
    %c0_i32 = arith.constant 0 : i32
    %c0_i32_0 = arith.constant 0 : i32
    return %c0_i32, %arg1 : i32, i32
  }
  func.func @transform_2(%arg0: i32, %arg1: i32) -> (i32, i32) {
    %c0_i32 = arith.constant 0 : i32
    %c0_i32_0 = arith.constant 0 : i32
    return %c0_i32, %arg1 : i32, i32
  }
  func.func @transform_3(%arg0: i32, %arg1: i32) -> (i32, i32) {
    %c0_i32 = arith.constant 0 : i32
    return %arg0, %arg1 : i32, i32
  }
}

module attributes {stable_mosaic.version = 14 : i64} {
  func.func @_mm_kern(%arg0: i32, %arg1: i32, %arg2: memref<1024x259xf32, #tpu.memory_space<vmem>>, %arg3: memref<259x256xf32, #tpu.memory_space<vmem>>, %arg4: memref<1x256xf32, #tpu.memory_space<vmem>>, %arg5: memref<1024x256xf32, #tpu.memory_space<vmem>>) attributes {dimension_semantics = [#tpu.dimension_semantics<arbitrary>, #tpu.dimension_semantics<arbitrary>], iteration_bounds = array<i64: 64, 1>, scalar_prefetch = 0 : i64, scratch_operands = 0 : i64, tpu.core_type = #tpu.core_type<tc>, window_params = [{transform_indices = @transform_0, window_bounds = array<i64: 1024, 259>}, {transform_indices = @transform_1, window_bounds = array<i64: 259, 256>}, {transform_indices = @transform_2, window_bounds = array<i64: 1, 256>}, {transform_indices = @transform_3, window_bounds = array<i64: 1024, 256>}]} {
    %get3A = arith.constant 0 : index
    %get3A_0 = arith.constant 0 : index
    %get3A_1 = vector.load %arg2[%get3A, %get3A_0] : memref<1024x259xf32, #tpu.memory_space<vmem>>, vector<1024x259xf32>
    %get3A_2 = arith.constant 0 : index
    %get3A_3 = arith.constant 0 : index
    %get3A_4 = vector.load %arg3[%get3A_2, %get3A_3] : memref<259x256xf32, #tpu.memory_space<vmem>>, vector<259x256xf32>
    %dot_general3A = arith.constant dense<0.000000e+00> : vector<1024x256xf32>
    %dot_general3A_5 = tpu.matmul %get3A_1, %get3A_4, %dot_general3A {dimension_numbers = #tpu.dot_dimension_numbers<[1], [0], [0], [1], [0, 0, 1, 1], [], []>, transpose_lhs_hint = false} : vector<1024x259xf32>, vector<259x256xf32>, vector<1024x256xf32> -> vector<1024x256xf32>
    %get3A_6 = arith.constant 0 : index
    %get3A_7 = arith.constant 0 : index
    %get3A_8 = vector.load %arg4[%get3A_6, %get3A_7] : memref<1x256xf32, #tpu.memory_space<vmem>>, vector<1x256xf32>
    %add3A = vector.broadcast %get3A_8 : vector<1x256xf32> to vector<1024x256xf32>
    %add3A_9 = arith.addf %dot_general3A_5, %add3A : vector<1024x256xf32>
    %max3A = arith.constant 0.000000e+00 : f32
    %max3A_10 = vector.broadcast %max3A : f32 to vector<1024x256xf32>
    %max3A_11 = arith.maximumf %add3A_9, %max3A_10 : vector<1024x256xf32>
    %mul3A = arith.constant 0.999994993 : f32
    %mul3A_12 = vector.broadcast %mul3A : f32 to vector<1024x256xf32>
    %mul3A_13 = arith.mulf %max3A_11, %mul3A_12 : vector<1024x256xf32>
    %swap3A = arith.constant 0 : index
    %swap3A_14 = arith.constant 0 : index
    %swap3A_15 = vector.load %arg5[%swap3A, %swap3A_14] : memref<1024x256xf32, #tpu.memory_space<vmem>>, vector<1024x256xf32>
    tpu.vector_store %arg5[%swap3A, %swap3A_14], %mul3A_13 {strides = array<i32>} : memref<1024x256xf32, #tpu.memory_space<vmem>>, vector<1024x256xf32>,
    return
  }
  func.func @transform_0(%arg0: i32, %arg1: i32) -> (i32, i32) {
    %c0_i32 = arith.constant 0 : i32
    %c0_i32_0 = arith.constant 0 : i32
    return %arg0, %c0_i32 : i32, i32
  }
  func.func @transform_1(%arg0: i32, %arg1: i32) -> (i32, i32) {
    %c0_i32 = arith.constant 0 : i32
    %c0_i32_0 = arith.constant 0 : i32
    return %c0_i32, %arg1 : i32, i32
  }
  func.func @transform_2(%arg0: i32, %arg1: i32) -> (i32, i32) {
    %c0_i32 = arith.constant 0 : i32
    %c0_i32_0 = arith.constant 0 : i32
    return %c0_i32, %arg1 : i32, i32
  }
  func.func @transform_3(%arg0: i32, %arg1: i32) -> (i32, i32) {
    %c0_i32 = arith.constant 0 : i32
    return %arg0, %arg1 : i32, i32
  }
}

module attributes {stable_mosaic.version = 14 : i64} {
  func.func @_mm_kern(%arg0: i32, %arg1: i32, %arg2: memref<1024x256xf32, #tpu.memory_space<vmem>>, %arg3: memref<256x256xf32, #tpu.memory_space<vmem>>, %arg4: memref<1x256xf32, #tpu.memory_space<vmem>>, %arg5: memref<1024x256xf32, #tpu.memory_space<vmem>>) attributes {dimension_semantics = [#tpu.dimension_semantics<arbitrary>, #tpu.dimension_semantics<arbitrary>], iteration_bounds = array<i64: 64, 1>, scalar_prefetch = 0 : i64, scratch_operands = 0 : i64, tpu.core_type = #tpu.core_type<tc>, window_params = [{transform_indices = @transform_0, window_bounds = array<i64: 1024, 256>}, {transform_indices = @transform_1, window_bounds = array<i64: 256, 256>}, {transform_indices = @transform_2, window_bounds = array<i64: 1, 256>}, {transform_indices = @transform_3, window_bounds = array<i64: 1024, 256>}]} {
    %get3A = arith.constant 0 : index
    %get3A_0 = arith.constant 0 : index
    %get3A_1 = vector.load %arg2[%get3A, %get3A_0] : memref<1024x256xf32, #tpu.memory_space<vmem>>, vector<1024x256xf32>
    %get3A_2 = arith.constant 0 : index
    %get3A_3 = arith.constant 0 : index
    %get3A_4 = vector.load %arg3[%get3A_2, %get3A_3] : memref<256x256xf32, #tpu.memory_space<vmem>>, vector<256x256xf32>
    %dot_general3A = arith.constant dense<0.000000e+00> : vector<1024x256xf32>
    %dot_general3A_5 = tpu.matmul %get3A_1, %get3A_4, %dot_general3A {dimension_numbers = #tpu.dot_dimension_numbers<[1], [0], [0], [1], [0, 0, 1, 1], [], []>, transpose_lhs_hint = false} : vector<1024x256xf32>, vector<256x256xf32>, vector<1024x256xf32> -> vector<1024x256xf32>
    %get3A_6 = arith.constant 0 : index
    %get3A_7 = arith.constant 0 : index
    %get3A_8 = vector.load %arg4[%get3A_6, %get3A_7] : memref<1x256xf32, #tpu.memory_space<vmem>>, vector<1x256xf32>
    %add3A = vector.broadcast %get3A_8 : vector<1x256xf32> to vector<1024x256xf32>
    %add3A_9 = arith.addf %dot_general3A_5, %add3A : vector<1024x256xf32>
    %max3A = arith.constant 0.000000e+00 : f32
    %max3A_10 = vector.broadcast %max3A : f32 to vector<1024x256xf32>
    %max3A_11 = arith.maximumf %add3A_9, %max3A_10 : vector<1024x256xf32>
    %mul3A = arith.constant 0.999994993 : f32
    %mul3A_12 = vector.broadcast %mul3A : f32 to vector<1024x256xf32>
    %mul3A_13 = arith.mulf %max3A_11, %mul3A_12 : vector<1024x256xf32>
    %swap3A = arith.constant 0 : index
    %swap3A_14 = arith.constant 0 : index
    %swap3A_15 = vector.load %arg5[%swap3A, %swap3A_14] : memref<1024x256xf32, #tpu.memory_space<vmem>>, vector<1024x256xf32>
    tpu.vector_store %arg5[%swap3A, %swap3A_14], %mul3A_13 {strides = array<i32>} : memref<1024x256xf32, #tpu.memory_space<vmem>>, vector<1024x256xf32>,
    return
  }
  func.func @transform_0(%arg0: i32, %arg1: i32) -> (i32, i32) {
    %c0_i32 = arith.constant 0 : i32
    %c0_i32_0 = arith.constant 0 : i32
    return %arg0, %c0_i32 : i32, i32
  }
  func.func @transform_1(%arg0: i32, %arg1: i32) -> (i32, i32) {
    %c0_i32 = arith.constant 0 : i32
    %c0_i32_0 = arith.constant 0 : i32
    return %c0_i32, %arg1 : i32, i32
  }
  func.func @transform_2(%arg0: i32, %arg1: i32) -> (i32, i32) {
    %c0_i32 = arith.constant 0 : i32
    %c0_i32_0 = arith.constant 0 : i32
    return %c0_i32, %arg1 : i32, i32
  }
  func.func @transform_3(%arg0: i32, %arg1: i32) -> (i32, i32) {
    %c0_i32 = arith.constant 0 : i32
    return %arg0, %arg1 : i32, i32
  }
}

module attributes {stable_mosaic.version = 14 : i64} {
  func.func @_mm_kern(%arg0: i32, %arg1: i32, %arg2: memref<1024x8xf32, #tpu.memory_space<vmem>>, %arg3: memref<8x4xf32, #tpu.memory_space<vmem>>, %arg4: memref<1x4xf32, #tpu.memory_space<vmem>>, %arg5: memref<1024x4xf32, #tpu.memory_space<vmem>>) attributes {dimension_semantics = [#tpu.dimension_semantics<arbitrary>, #tpu.dimension_semantics<arbitrary>], iteration_bounds = array<i64: 64, 1>, scalar_prefetch = 0 : i64, scratch_operands = 0 : i64, tpu.core_type = #tpu.core_type<tc>, window_params = [{transform_indices = @transform_0, window_bounds = array<i64: 1024, 8>}, {transform_indices = @transform_1, window_bounds = array<i64: 8, 4>}, {transform_indices = @transform_2, window_bounds = array<i64: 1, 4>}, {transform_indices = @transform_3, window_bounds = array<i64: 1024, 4>}]} {
    %get3A = arith.constant 0 : index
    %get3A_0 = arith.constant 0 : index
    %get3A_1 = vector.load %arg2[%get3A, %get3A_0] : memref<1024x8xf32, #tpu.memory_space<vmem>>, vector<1024x8xf32>
    %get3A_2 = arith.constant 0 : index
    %get3A_3 = arith.constant 0 : index
    %get3A_4 = vector.load %arg3[%get3A_2, %get3A_3] : memref<8x4xf32, #tpu.memory_space<vmem>>, vector<8x4xf32>
    %dot_general3A = arith.constant dense<0.000000e+00> : vector<1024x4xf32>
    %dot_general3A_5 = tpu.matmul %get3A_1, %get3A_4, %dot_general3A {dimension_numbers = #tpu.dot_dimension_numbers<[1], [0], [0], [1], [0, 0, 1, 1], [], []>, transpose_lhs_hint = false} : vector<1024x8xf32>, vector<8x4xf32>, vector<1024x4xf32> -> vector<1024x4xf32>
    %get3A_6 = arith.constant 0 : index
    %get3A_7 = arith.constant 0 : index
    %get3A_8 = vector.load %arg4[%get3A_6, %get3A_7] : memref<1x4xf32, #tpu.memory_space<vmem>>, vector<1x4xf32>
    %add3A = vector.broadcast %get3A_8 : vector<1x4xf32> to vector<1024x4xf32>
    %add3A_9 = arith.addf %dot_general3A_5, %add3A : vector<1024x4xf32>
    %max3A = arith.constant 0.000000e+00 : f32
    %max3A_10 = vector.broadcast %max3A : f32 to vector<1024x4xf32>
    %max3A_11 = arith.maximumf %add3A_9, %max3A_10 : vector<1024x4xf32>
    %mul3A = arith.constant 0.999994993 : f32
    %mul3A_12 = vector.broadcast %mul3A : f32 to vector<1024x4xf32>
    %mul3A_13 = arith.mulf %max3A_11, %mul3A_12 : vector<1024x4xf32>
    %swap3A = arith.constant 0 : index
    %swap3A_14 = arith.constant 0 : index
    %swap3A_15 = vector.load %arg5[%swap3A, %swap3A_14] : memref<1024x4xf32, #tpu.memory_space<vmem>>, vector<1024x4xf32>
    tpu.vector_store %arg5[%swap3A, %swap3A_14], %mul3A_13 {strides = array<i32>} : memref<1024x4xf32, #tpu.memory_space<vmem>>, vector<1024x4xf32>,
    return
  }
  func.func @transform_0(%arg0: i32, %arg1: i32) -> (i32, i32) {
    %c0_i32 = arith.constant 0 : i32
    %c0_i32_0 = arith.constant 0 : i32
    return %arg0, %c0_i32 : i32, i32
  }
  func.func @transform_1(%arg0: i32, %arg1: i32) -> (i32, i32) {
    %c0_i32 = arith.constant 0 : i32
    %c0_i32_0 = arith.constant 0 : i32
    return %c0_i32, %arg1 : i32, i32
  }
  func.func @transform_2(%arg0: i32, %arg1: i32) -> (i32, i32) {
    %c0_i32 = arith.constant 0 : i32
    %c0_i32_0 = arith.constant 0 : i32
    return %c0_i32, %arg1 : i32, i32
  }
  func.func @transform_3(%arg0: i32, %arg1: i32) -> (i32, i32) {
    %c0_i32 = arith.constant 0 : i32
    return %arg0, %arg1 : i32, i32
  }
}

module attributes {stable_mosaic.version = 14 : i64} {
  func.func @_mm_kern(%arg0: i32, %arg1: i32, %arg2: memref<1024x1024xf32, #tpu.memory_space<vmem>>, %arg3: memref<1024x512xf32, #tpu.memory_space<vmem>>, %arg4: memref<1x512xf32, #tpu.memory_space<vmem>>, %arg5: memref<1024x512xf32, #tpu.memory_space<vmem>>) attributes {dimension_semantics = [#tpu.dimension_semantics<arbitrary>, #tpu.dimension_semantics<arbitrary>], iteration_bounds = array<i64: 1, 2>, scalar_prefetch = 0 : i64, scratch_operands = 0 : i64, tpu.core_type = #tpu.core_type<tc>, window_params = [{transform_indices = @transform_0, window_bounds = array<i64: 1024, 1024>}, {transform_indices = @transform_1, window_bounds = array<i64: 1024, 512>}, {transform_indices = @transform_2, window_bounds = array<i64: 1, 512>}, {transform_indices = @transform_3, window_bounds = array<i64: 1024, 512>}]} {
    %get3A = arith.constant 0 : index
    %get3A_0 = arith.constant 0 : index
    %get3A_1 = vector.load %arg2[%get3A, %get3A_0] : memref<1024x1024xf32, #tpu.memory_space<vmem>>, vector<1024x1024xf32>
    %get3A_2 = arith.constant 0 : index
    %get3A_3 = arith.constant 0 : index
    %get3A_4 = vector.load %arg3[%get3A_2, %get3A_3] : memref<1024x512xf32, #tpu.memory_space<vmem>>, vector<1024x512xf32>
    %dot_general3A = arith.constant dense<0.000000e+00> : vector<1024x512xf32>
    %dot_general3A_5 = tpu.matmul %get3A_1, %get3A_4, %dot_general3A {dimension_numbers = #tpu.dot_dimension_numbers<[1], [0], [0], [1], [0, 0, 1, 1], [], []>, transpose_lhs_hint = false} : vector<1024x1024xf32>, vector<1024x512xf32>, vector<1024x512xf32> -> vector<1024x512xf32>
    %get3A_6 = arith.constant 0 : index
    %get3A_7 = arith.constant 0 : index
    %get3A_8 = vector.load %arg4[%get3A_6, %get3A_7] : memref<1x512xf32, #tpu.memory_space<vmem>>, vector<1x512xf32>
    %add3A = vector.broadcast %get3A_8 : vector<1x512xf32> to vector<1024x512xf32>
    %add3A_9 = arith.addf %dot_general3A_5, %add3A : vector<1024x512xf32>
    %max3A = arith.constant 0.000000e+00 : f32
    %max3A_10 = vector.broadcast %max3A : f32 to vector<1024x512xf32>
    %max3A_11 = arith.maximumf %add3A_9, %max3A_10 : vector<1024x512xf32>
    %mul3A = arith.constant 0.999994993 : f32
    %mul3A_12 = vector.broadcast %mul3A : f32 to vector<1024x512xf32>
    %mul3A_13 = arith.mulf %max3A_11, %mul3A_12 : vector<1024x512xf32>
    %swap3A = arith.constant 0 : index
    %swap3A_14 = arith.constant 0 : index
    %swap3A_15 = vector.load %arg5[%swap3A, %swap3A_14] : memref<1024x512xf32, #tpu.memory_space<vmem>>, vector<1024x512xf32>
    tpu.vector_store %arg5[%swap3A, %swap3A_14], %mul3A_13 {strides = array<i32>} : memref<1024x512xf32, #tpu.memory_space<vmem>>, vector<1024x512xf32>,
    return
  }
  func.func @transform_0(%arg0: i32, %arg1: i32) -> (i32, i32) {
    %c0_i32 = arith.constant 0 : i32
    %c0_i32_0 = arith.constant 0 : i32
    return %arg0, %c0_i32 : i32, i32
  }
  func.func @transform_1(%arg0: i32, %arg1: i32) -> (i32, i32) {
    %c0_i32 = arith.constant 0 : i32
    %c0_i32_0 = arith.constant 0 : i32
    return %c0_i32, %arg1 : i32, i32
  }
  func.func @transform_2(%arg0: i32, %arg1: i32) -> (i32, i32) {
    %c0_i32 = arith.constant 0 : i32
    %c0_i32_0 = arith.constant 0 : i32
    return %c0_i32, %arg1 : i32, i32
  }
  func.func @transform_3(%arg0: i32, %arg1: i32) -> (i32, i32) {
    %c0_i32 = arith.constant 0 : i32
    return %arg0, %arg1 : i32, i32
  }
}

module attributes {stable_mosaic.version = 14 : i64} {
  func.func @_mm_kern(%arg0: i32, %arg1: i32, %arg2: memref<1024x1024xf32, #tpu.memory_space<vmem>>, %arg3: memref<1024x512xf32, #tpu.memory_space<vmem>>, %arg4: memref<1x512xf32, #tpu.memory_space<vmem>>, %arg5: memref<1024x512xf32, #tpu.memory_space<vmem>>) attributes {dimension_semantics = [#tpu.dimension_semantics<arbitrary>, #tpu.dimension_semantics<arbitrary>], iteration_bounds = array<i64: 1, 4>, scalar_prefetch = 0 : i64, scratch_operands = 0 : i64, tpu.core_type = #tpu.core_type<tc>, window_params = [{transform_indices = @transform_0, window_bounds = array<i64: 1024, 1024>}, {transform_indices = @transform_1, window_bounds = array<i64: 1024, 512>}, {transform_indices = @transform_2, window_bounds = array<i64: 1, 512>}, {transform_indices = @transform_3, window_bounds = array<i64: 1024, 512>}]} {
    %get3A = arith.constant 0 : index
    %get3A_0 = arith.constant 0 : index
    %get3A_1 = vector.load %arg2[%get3A, %get3A_0] : memref<1024x1024xf32, #tpu.memory_space<vmem>>, vector<1024x1024xf32>
    %get3A_2 = arith.constant 0 : index
    %get3A_3 = arith.constant 0 : index
    %get3A_4 = vector.load %arg3[%get3A_2, %get3A_3] : memref<1024x512xf32, #tpu.memory_space<vmem>>, vector<1024x512xf32>
    %dot_general3A = arith.constant dense<0.000000e+00> : vector<1024x512xf32>
    %dot_general3A_5 = tpu.matmul %get3A_1, %get3A_4, %dot_general3A {dimension_numbers = #tpu.dot_dimension_numbers<[1], [0], [0], [1], [0, 0, 1, 1], [], []>, transpose_lhs_hint = false} : vector<1024x1024xf32>, vector<1024x512xf32>, vector<1024x512xf32> -> vector<1024x512xf32>
    %get3A_6 = arith.constant 0 : index
    %get3A_7 = arith.constant 0 : index
    %get3A_8 = vector.load %arg4[%get3A_6, %get3A_7] : memref<1x512xf32, #tpu.memory_space<vmem>>, vector<1x512xf32>
    %add3A = vector.broadcast %get3A_8 : vector<1x512xf32> to vector<1024x512xf32>
    %add3A_9 = arith.addf %dot_general3A_5, %add3A : vector<1024x512xf32>
    %max3A = arith.constant 0.000000e+00 : f32
    %max3A_10 = vector.broadcast %max3A : f32 to vector<1024x512xf32>
    %max3A_11 = arith.maximumf %add3A_9, %max3A_10 : vector<1024x512xf32>
    %mul3A = arith.constant 0.999994993 : f32
    %mul3A_12 = vector.broadcast %mul3A : f32 to vector<1024x512xf32>
    %mul3A_13 = arith.mulf %max3A_11, %mul3A_12 : vector<1024x512xf32>
    %swap3A = arith.constant 0 : index
    %swap3A_14 = arith.constant 0 : index
    %swap3A_15 = vector.load %arg5[%swap3A, %swap3A_14] : memref<1024x512xf32, #tpu.memory_space<vmem>>, vector<1024x512xf32>
    tpu.vector_store %arg5[%swap3A, %swap3A_14], %mul3A_13 {strides = array<i32>} : memref<1024x512xf32, #tpu.memory_space<vmem>>, vector<1024x512xf32>,
    return
  }
  func.func @transform_0(%arg0: i32, %arg1: i32) -> (i32, i32) {
    %c0_i32 = arith.constant 0 : i32
    %c0_i32_0 = arith.constant 0 : i32
    return %arg0, %c0_i32 : i32, i32
  }
  func.func @transform_1(%arg0: i32, %arg1: i32) -> (i32, i32) {
    %c0_i32 = arith.constant 0 : i32
    %c0_i32_0 = arith.constant 0 : i32
    return %c0_i32, %arg1 : i32, i32
  }
  func.func @transform_2(%arg0: i32, %arg1: i32) -> (i32, i32) {
    %c0_i32 = arith.constant 0 : i32
    %c0_i32_0 = arith.constant 0 : i32
    return %c0_i32, %arg1 : i32, i32
  }
  func.func @transform_3(%arg0: i32, %arg1: i32) -> (i32, i32) {
    %c0_i32 = arith.constant 0 : i32
    return %arg0, %arg1 : i32, i32
  }
}

module attributes {stable_mosaic.version = 14 : i64} {
  func.func @_mm_kern(%arg0: i32, %arg1: i32, %arg2: memref<1024x2051xf32, #tpu.memory_space<vmem>>, %arg3: memref<2051x512xf32, #tpu.memory_space<vmem>>, %arg4: memref<1x512xf32, #tpu.memory_space<vmem>>, %arg5: memref<1024x512xf32, #tpu.memory_space<vmem>>) attributes {dimension_semantics = [#tpu.dimension_semantics<arbitrary>, #tpu.dimension_semantics<arbitrary>], iteration_bounds = array<i64: 1, 4>, scalar_prefetch = 0 : i64, scratch_operands = 0 : i64, tpu.core_type = #tpu.core_type<tc>, window_params = [{transform_indices = @transform_0, window_bounds = array<i64: 1024, 2051>}, {transform_indices = @transform_1, window_bounds = array<i64: 2051, 512>}, {transform_indices = @transform_2, window_bounds = array<i64: 1, 512>}, {transform_indices = @transform_3, window_bounds = array<i64: 1024, 512>}]} {
    %get3A = arith.constant 0 : index
    %get3A_0 = arith.constant 0 : index
    %get3A_1 = vector.load %arg2[%get3A, %get3A_0] : memref<1024x2051xf32, #tpu.memory_space<vmem>>, vector<1024x2051xf32>
    %get3A_2 = arith.constant 0 : index
    %get3A_3 = arith.constant 0 : index
    %get3A_4 = vector.load %arg3[%get3A_2, %get3A_3] : memref<2051x512xf32, #tpu.memory_space<vmem>>, vector<2051x512xf32>
    %dot_general3A = arith.constant dense<0.000000e+00> : vector<1024x512xf32>
    %dot_general3A_5 = tpu.matmul %get3A_1, %get3A_4, %dot_general3A {dimension_numbers = #tpu.dot_dimension_numbers<[1], [0], [0], [1], [0, 0, 1, 1], [], []>, transpose_lhs_hint = false} : vector<1024x2051xf32>, vector<2051x512xf32>, vector<1024x512xf32> -> vector<1024x512xf32>
    %get3A_6 = arith.constant 0 : index
    %get3A_7 = arith.constant 0 : index
    %get3A_8 = vector.load %arg4[%get3A_6, %get3A_7] : memref<1x512xf32, #tpu.memory_space<vmem>>, vector<1x512xf32>
    %add3A = vector.broadcast %get3A_8 : vector<1x512xf32> to vector<1024x512xf32>
    %add3A_9 = arith.addf %dot_general3A_5, %add3A : vector<1024x512xf32>
    %max3A = arith.constant 0.000000e+00 : f32
    %max3A_10 = vector.broadcast %max3A : f32 to vector<1024x512xf32>
    %max3A_11 = arith.maximumf %add3A_9, %max3A_10 : vector<1024x512xf32>
    %mul3A = arith.constant 0.999994993 : f32
    %mul3A_12 = vector.broadcast %mul3A : f32 to vector<1024x512xf32>
    %mul3A_13 = arith.mulf %max3A_11, %mul3A_12 : vector<1024x512xf32>
    %swap3A = arith.constant 0 : index
    %swap3A_14 = arith.constant 0 : index
    %swap3A_15 = vector.load %arg5[%swap3A, %swap3A_14] : memref<1024x512xf32, #tpu.memory_space<vmem>>, vector<1024x512xf32>
    tpu.vector_store %arg5[%swap3A, %swap3A_14], %mul3A_13 {strides = array<i32>} : memref<1024x512xf32, #tpu.memory_space<vmem>>, vector<1024x512xf32>,
    return
  }
  func.func @transform_0(%arg0: i32, %arg1: i32) -> (i32, i32) {
    %c0_i32 = arith.constant 0 : i32
    %c0_i32_0 = arith.constant 0 : i32
    return %arg0, %c0_i32 : i32, i32
  }
  func.func @transform_1(%arg0: i32, %arg1: i32) -> (i32, i32) {
    %c0_i32 = arith.constant 0 : i32
    %c0_i32_0 = arith.constant 0 : i32
    return %c0_i32, %arg1 : i32, i32
  }
  func.func @transform_2(%arg0: i32, %arg1: i32) -> (i32, i32) {
    %c0_i32 = arith.constant 0 : i32
    %c0_i32_0 = arith.constant 0 : i32
    return %c0_i32, %arg1 : i32, i32
  }
  func.func @transform_3(%arg0: i32, %arg1: i32) -> (i32, i32) {
    %c0_i32 = arith.constant 0 : i32
    return %arg0, %arg1 : i32, i32
  }
}

module attributes {stable_mosaic.version = 14 : i64} {
  func.func @_mm_kern(%arg0: i32, %arg1: i32, %arg2: memref<1024x2048xf32, #tpu.memory_space<vmem>>, %arg3: memref<2048x512xf32, #tpu.memory_space<vmem>>, %arg4: memref<1x512xf32, #tpu.memory_space<vmem>>, %arg5: memref<1024x512xf32, #tpu.memory_space<vmem>>) attributes {dimension_semantics = [#tpu.dimension_semantics<arbitrary>, #tpu.dimension_semantics<arbitrary>], iteration_bounds = array<i64: 1, 4>, scalar_prefetch = 0 : i64, scratch_operands = 0 : i64, tpu.core_type = #tpu.core_type<tc>, window_params = [{transform_indices = @transform_0, window_bounds = array<i64: 1024, 2048>}, {transform_indices = @transform_1, window_bounds = array<i64: 2048, 512>}, {transform_indices = @transform_2, window_bounds = array<i64: 1, 512>}, {transform_indices = @transform_3, window_bounds = array<i64: 1024, 512>}]} {
    %get3A = arith.constant 0 : index
    %get3A_0 = arith.constant 0 : index
    %get3A_1 = vector.load %arg2[%get3A, %get3A_0] : memref<1024x2048xf32, #tpu.memory_space<vmem>>, vector<1024x2048xf32>
    %get3A_2 = arith.constant 0 : index
    %get3A_3 = arith.constant 0 : index
    %get3A_4 = vector.load %arg3[%get3A_2, %get3A_3] : memref<2048x512xf32, #tpu.memory_space<vmem>>, vector<2048x512xf32>
    %dot_general3A = arith.constant dense<0.000000e+00> : vector<1024x512xf32>
    %dot_general3A_5 = tpu.matmul %get3A_1, %get3A_4, %dot_general3A {dimension_numbers = #tpu.dot_dimension_numbers<[1], [0], [0], [1], [0, 0, 1, 1], [], []>, transpose_lhs_hint = false} : vector<1024x2048xf32>, vector<2048x512xf32>, vector<1024x512xf32> -> vector<1024x512xf32>
    %get3A_6 = arith.constant 0 : index
    %get3A_7 = arith.constant 0 : index
    %get3A_8 = vector.load %arg4[%get3A_6, %get3A_7] : memref<1x512xf32, #tpu.memory_space<vmem>>, vector<1x512xf32>
    %add3A = vector.broadcast %get3A_8 : vector<1x512xf32> to vector<1024x512xf32>
    %add3A_9 = arith.addf %dot_general3A_5, %add3A : vector<1024x512xf32>
    %max3A = arith.constant 0.000000e+00 : f32
    %max3A_10 = vector.broadcast %max3A : f32 to vector<1024x512xf32>
    %max3A_11 = arith.maximumf %add3A_9, %max3A_10 : vector<1024x512xf32>
    %mul3A = arith.constant 0.999994993 : f32
    %mul3A_12 = vector.broadcast %mul3A : f32 to vector<1024x512xf32>
    %mul3A_13 = arith.mulf %max3A_11, %mul3A_12 : vector<1024x512xf32>
    %swap3A = arith.constant 0 : index
    %swap3A_14 = arith.constant 0 : index
    %swap3A_15 = vector.load %arg5[%swap3A, %swap3A_14] : memref<1024x512xf32, #tpu.memory_space<vmem>>, vector<1024x512xf32>
    tpu.vector_store %arg5[%swap3A, %swap3A_14], %mul3A_13 {strides = array<i32>} : memref<1024x512xf32, #tpu.memory_space<vmem>>, vector<1024x512xf32>,
    return
  }
  func.func @transform_0(%arg0: i32, %arg1: i32) -> (i32, i32) {
    %c0_i32 = arith.constant 0 : i32
    %c0_i32_0 = arith.constant 0 : i32
    return %arg0, %c0_i32 : i32, i32
  }
  func.func @transform_1(%arg0: i32, %arg1: i32) -> (i32, i32) {
    %c0_i32 = arith.constant 0 : i32
    %c0_i32_0 = arith.constant 0 : i32
    return %c0_i32, %arg1 : i32, i32
  }
  func.func @transform_2(%arg0: i32, %arg1: i32) -> (i32, i32) {
    %c0_i32 = arith.constant 0 : i32
    %c0_i32_0 = arith.constant 0 : i32
    return %c0_i32, %arg1 : i32, i32
  }
  func.func @transform_3(%arg0: i32, %arg1: i32) -> (i32, i32) {
    %c0_i32 = arith.constant 0 : i32
    return %arg0, %arg1 : i32, i32
  }
}

module attributes {stable_mosaic.version = 14 : i64} {
  func.func @_mm_kern(%arg0: i32, %arg1: i32, %arg2: memref<4x2048xf32, #tpu.memory_space<vmem>>, %arg3: memref<2048x512xf32, #tpu.memory_space<vmem>>, %arg4: memref<1x512xf32, #tpu.memory_space<vmem>>, %arg5: memref<4x512xf32, #tpu.memory_space<vmem>>) attributes {dimension_semantics = [#tpu.dimension_semantics<arbitrary>, #tpu.dimension_semantics<arbitrary>], iteration_bounds = array<i64: 1, 1>, scalar_prefetch = 0 : i64, scratch_operands = 0 : i64, tpu.core_type = #tpu.core_type<tc>, window_params = [{transform_indices = @transform_0, window_bounds = array<i64: 4, 2048>}, {transform_indices = @transform_1, window_bounds = array<i64: 2048, 512>}, {transform_indices = @transform_2, window_bounds = array<i64: 1, 512>}, {transform_indices = @transform_3, window_bounds = array<i64: 4, 512>}]} {
    %get3A = arith.constant 0 : index
    %get3A_0 = arith.constant 0 : index
    %get3A_1 = vector.load %arg2[%get3A, %get3A_0] : memref<4x2048xf32, #tpu.memory_space<vmem>>, vector<4x2048xf32>
    %get3A_2 = arith.constant 0 : index
    %get3A_3 = arith.constant 0 : index
    %get3A_4 = vector.load %arg3[%get3A_2, %get3A_3] : memref<2048x512xf32, #tpu.memory_space<vmem>>, vector<2048x512xf32>
    %dot_general3A = arith.constant dense<0.000000e+00> : vector<4x512xf32>
    %dot_general3A_5 = tpu.matmul %get3A_1, %get3A_4, %dot_general3A {dimension_numbers = #tpu.dot_dimension_numbers<[1], [0], [0], [1], [0, 0, 1, 1], [], []>, transpose_lhs_hint = false} : vector<4x2048xf32>, vector<2048x512xf32>, vector<4x512xf32> -> vector<4x512xf32>
    %get3A_6 = arith.constant 0 : index
    %get3A_7 = arith.constant 0 : index
    %get3A_8 = vector.load %arg4[%get3A_6, %get3A_7] : memref<1x512xf32, #tpu.memory_space<vmem>>, vector<1x512xf32>
    %add3A = vector.broadcast %get3A_8 : vector<1x512xf32> to vector<4x512xf32>
    %add3A_9 = arith.addf %dot_general3A_5, %add3A : vector<4x512xf32>
    %max3A = arith.constant 0.000000e+00 : f32
    %max3A_10 = vector.broadcast %max3A : f32 to vector<4x512xf32>
    %max3A_11 = arith.maximumf %add3A_9, %max3A_10 : vector<4x512xf32>
    %swap3A = arith.constant 0 : index
    %swap3A_12 = arith.constant 0 : index
    %swap3A_13 = vector.load %arg5[%swap3A, %swap3A_12] : memref<4x512xf32, #tpu.memory_space<vmem>>, vector<4x512xf32>
    tpu.vector_store %arg5[%swap3A, %swap3A_12], %max3A_11 {strides = array<i32>} : memref<4x512xf32, #tpu.memory_space<vmem>>, vector<4x512xf32>,
    return
  }
  func.func @transform_0(%arg0: i32, %arg1: i32) -> (i32, i32) {
    %c0_i32 = arith.constant 0 : i32
    %c0_i32_0 = arith.constant 0 : i32
    return %arg0, %c0_i32 : i32, i32
  }
  func.func @transform_1(%arg0: i32, %arg1: i32) -> (i32, i32) {
    %c0_i32 = arith.constant 0 : i32
    %c0_i32_0 = arith.constant 0 : i32
    return %c0_i32, %arg1 : i32, i32
  }
  func.func @transform_2(%arg0: i32, %arg1: i32) -> (i32, i32) {
    %c0_i32 = arith.constant 0 : i32
    %c0_i32_0 = arith.constant 0 : i32
    return %c0_i32, %arg1 : i32, i32
  }
  func.func @transform_3(%arg0: i32, %arg1: i32) -> (i32, i32) {
    %c0_i32 = arith.constant 0 : i32
    return %arg0, %arg1 : i32, i32
  }
}

module attributes {stable_mosaic.version = 14 : i64} {
  func.func @_mm_kern(%arg0: i32, %arg1: i32, %arg2: memref<4x512xf32, #tpu.memory_space<vmem>>, %arg3: memref<512x256xf32, #tpu.memory_space<vmem>>, %arg4: memref<1x256xf32, #tpu.memory_space<vmem>>, %arg5: memref<4x256xf32, #tpu.memory_space<vmem>>) attributes {dimension_semantics = [#tpu.dimension_semantics<arbitrary>, #tpu.dimension_semantics<arbitrary>], iteration_bounds = array<i64: 1, 1>, scalar_prefetch = 0 : i64, scratch_operands = 0 : i64, tpu.core_type = #tpu.core_type<tc>, window_params = [{transform_indices = @transform_0, window_bounds = array<i64: 4, 512>}, {transform_indices = @transform_1, window_bounds = array<i64: 512, 256>}, {transform_indices = @transform_2, window_bounds = array<i64: 1, 256>}, {transform_indices = @transform_3, window_bounds = array<i64: 4, 256>}]} {
    %get3A = arith.constant 0 : index
    %get3A_0 = arith.constant 0 : index
    %get3A_1 = vector.load %arg2[%get3A, %get3A_0] : memref<4x512xf32, #tpu.memory_space<vmem>>, vector<4x512xf32>
    %get3A_2 = arith.constant 0 : index
    %get3A_3 = arith.constant 0 : index
    %get3A_4 = vector.load %arg3[%get3A_2, %get3A_3] : memref<512x256xf32, #tpu.memory_space<vmem>>, vector<512x256xf32>
    %dot_general3A = arith.constant dense<0.000000e+00> : vector<4x256xf32>
    %dot_general3A_5 = tpu.matmul %get3A_1, %get3A_4, %dot_general3A {dimension_numbers = #tpu.dot_dimension_numbers<[1], [0], [0], [1], [0, 0, 1, 1], [], []>, transpose_lhs_hint = false} : vector<4x512xf32>, vector<512x256xf32>, vector<4x256xf32> -> vector<4x256xf32>
    %get3A_6 = arith.constant 0 : index
    %get3A_7 = arith.constant 0 : index
    %get3A_8 = vector.load %arg4[%get3A_6, %get3A_7] : memref<1x256xf32, #tpu.memory_space<vmem>>, vector<1x256xf32>
    %add3A = vector.broadcast %get3A_8 : vector<1x256xf32> to vector<4x256xf32>
    %add3A_9 = arith.addf %dot_general3A_5, %add3A : vector<4x256xf32>
    %max3A = arith.constant 0.000000e+00 : f32
    %max3A_10 = vector.broadcast %max3A : f32 to vector<4x256xf32>
    %max3A_11 = arith.maximumf %add3A_9, %max3A_10 : vector<4x256xf32>
    %swap3A = arith.constant 0 : index
    %swap3A_12 = arith.constant 0 : index
    %swap3A_13 = vector.load %arg5[%swap3A, %swap3A_12] : memref<4x256xf32, #tpu.memory_space<vmem>>, vector<4x256xf32>
    tpu.vector_store %arg5[%swap3A, %swap3A_12], %max3A_11 {strides = array<i32>} : memref<4x256xf32, #tpu.memory_space<vmem>>, vector<4x256xf32>,
    return
  }
  func.func @transform_0(%arg0: i32, %arg1: i32) -> (i32, i32) {
    %c0_i32 = arith.constant 0 : i32
    %c0_i32_0 = arith.constant 0 : i32
    return %arg0, %c0_i32 : i32, i32
  }
  func.func @transform_1(%arg0: i32, %arg1: i32) -> (i32, i32) {
    %c0_i32 = arith.constant 0 : i32
    %c0_i32_0 = arith.constant 0 : i32
    return %c0_i32, %arg1 : i32, i32
  }
  func.func @transform_2(%arg0: i32, %arg1: i32) -> (i32, i32) {
    %c0_i32 = arith.constant 0 : i32
    %c0_i32_0 = arith.constant 0 : i32
    return %c0_i32, %arg1 : i32, i32
  }
  func.func @transform_3(%arg0: i32, %arg1: i32) -> (i32, i32) {
    %c0_i32 = arith.constant 0 : i32
    return %arg0, %arg1 : i32, i32
  }
}

module attributes {stable_mosaic.version = 14 : i64} {
  func.func @_mm_kern(%arg0: i32, %arg1: i32, %arg2: memref<4x256xf32, #tpu.memory_space<vmem>>, %arg3: memref<256x10xf32, #tpu.memory_space<vmem>>, %arg4: memref<1x10xf32, #tpu.memory_space<vmem>>, %arg5: memref<4x10xf32, #tpu.memory_space<vmem>>) attributes {dimension_semantics = [#tpu.dimension_semantics<arbitrary>, #tpu.dimension_semantics<arbitrary>], iteration_bounds = array<i64: 1, 1>, scalar_prefetch = 0 : i64, scratch_operands = 0 : i64, tpu.core_type = #tpu.core_type<tc>, window_params = [{transform_indices = @transform_0, window_bounds = array<i64: 4, 256>}, {transform_indices = @transform_1, window_bounds = array<i64: 256, 10>}, {transform_indices = @transform_2, window_bounds = array<i64: 1, 10>}, {transform_indices = @transform_3, window_bounds = array<i64: 4, 10>}]} {
    %get3A = arith.constant 0 : index
    %get3A_0 = arith.constant 0 : index
    %get3A_1 = vector.load %arg2[%get3A, %get3A_0] : memref<4x256xf32, #tpu.memory_space<vmem>>, vector<4x256xf32>
    %get3A_2 = arith.constant 0 : index
    %get3A_3 = arith.constant 0 : index
    %get3A_4 = vector.load %arg3[%get3A_2, %get3A_3] : memref<256x10xf32, #tpu.memory_space<vmem>>, vector<256x10xf32>
    %dot_general3A = arith.constant dense<0.000000e+00> : vector<4x10xf32>
    %dot_general3A_5 = tpu.matmul %get3A_1, %get3A_4, %dot_general3A {dimension_numbers = #tpu.dot_dimension_numbers<[1], [0], [0], [1], [0, 0, 1, 1], [], []>, transpose_lhs_hint = false} : vector<4x256xf32>, vector<256x10xf32>, vector<4x10xf32> -> vector<4x10xf32>
    %get3A_6 = arith.constant 0 : index
    %get3A_7 = arith.constant 0 : index
    %get3A_8 = vector.load %arg4[%get3A_6, %get3A_7] : memref<1x10xf32, #tpu.memory_space<vmem>>, vector<1x10xf32>
    %add3A = vector.broadcast %get3A_8 : vector<1x10xf32> to vector<4x10xf32>
    %add3A_9 = arith.addf %dot_general3A_5, %add3A : vector<4x10xf32>
    %swap3A = arith.constant 0 : index
    %swap3A_10 = arith.constant 0 : index
    %swap3A_11 = vector.load %arg5[%swap3A, %swap3A_10] : memref<4x10xf32, #tpu.memory_space<vmem>>, vector<4x10xf32>
    tpu.vector_store %arg5[%swap3A, %swap3A_10], %add3A_9 {strides = array<i32>} : memref<4x10xf32, #tpu.memory_space<vmem>>, vector<4x10xf32>,
    return
  }
  func.func @transform_0(%arg0: i32, %arg1: i32) -> (i32, i32) {
    %c0_i32 = arith.constant 0 : i32
    %c0_i32_0 = arith.constant 0 : i32
    return %arg0, %c0_i32 : i32, i32
  }
  func.func @transform_1(%arg0: i32, %arg1: i32) -> (i32, i32) {
    %c0_i32 = arith.constant 0 : i32
    %c0_i32_0 = arith.constant 0 : i32
    return %c0_i32, %arg1 : i32, i32
  }
  func.func @transform_2(%arg0: i32, %arg1: i32) -> (i32, i32) {
    %c0_i32 = arith.constant 0 : i32
    %c0_i32_0 = arith.constant 0 : i32
    return %c0_i32, %arg1 : i32, i32
  }
  func.func @transform_3(%arg0: i32, %arg1: i32) -> (i32, i32) {
    %c0_i32 = arith.constant 0 : i32
    return %arg0, %arg1 : i32, i32
  }
}

</mosaic_0001>

<sc_bundles>
// kernel: gather_offload_async_start
scs
__scs_entry_jumppad:
0x0: {  	(pc) =	sbr.rel $0x88, $3  }
0x1: {  	(tag) =	ssettag $0x0;
	lr =	simm.s32 $0x1  }
0x2: {  	[smem:$0x3F75] =	sst lr;
	_ =	strace $0xD0000000  }
0x3: {  	_ = 	snop  }
0x4: {  	_ = 	snop  }
0x5: {  	_ = 	snop  }
0x6: {  	_ = 	snop  }
0x7: {  	_ = 	snop  }
__scs_overlays_trampoline_lowered:
0x8: {  	[smem:$0x3F84] =	sst s0  }
0x9: {  	[smem:$0x3F85] =	sst s1  }
0xa: {  	[smem:$0x3F86] =	sst s2  }
0xb: {  	[smem:$0x3F87] =	sst s3  }
0xc: {  	[smem:$0x3F88] =	sst s4  }
0xd: {  	[smem:$0x3F89] =	sst s5  }
0xe: {  	[smem:$0x3F8A] =	sst s6  }
0xf: {  	[smem:$0x3F8B] =	sst s7  }
0x10: {  	[smem:$0x3F8C] =	sst s8  }
0x11: {  	[smem:$0x3F8D] =	sst s9;
	s0 =	simm.s32 @!p0 $0x0  }
0x12: {  	s1 =	sld [smem:$0x3F73];
	s0 =	simm.s32 @p0 $0x1  }
0x13: {  	[smem:$0x3F8E] =	sst s0;
	s0 =	simm.s32 @!p1 $0x0  }
0x14: {  	s2 =	sld [smem:$0x3F72];
	s0 =	simm.s32 @p1 $0x1  }
0x15: {  	[smem:$0x3F8F] =	sst s0;
	s0 =	simm.s32 @!p2 $0x0  }
0x16: {  	s3 =	sld [smem:$0x3FDB];
	s0 =	simm.s32 @p2 $0x1  }
0x17: {  	s4 =	simm.s32 $0x1BF5;
	[smem:$0x3F91] =	sst s0  }
0x18: {  	s0 =	sld [smem:$0x3F74];
	_ =	swait.ge [sflag:s4], $0x0  }
0x19: {  	s7 =	sld [smem:$0x3F75]  }
0x1a: {  	s8 =	sadd.s32 $0xFFFFE003, lr  }
0x1b: {  	s9 =	sadd.s32 $0xFFFFFEF7, lr;
	s5 =	simm.s32 $0xFFFFFFFF;
	p2 =	slt.u32 s8, $0xFFFFF086  }
0x1c: {  	p1 =	slt.u32 s9, $0xF7A;
	s5 =	simm.s32 @!p2 $0x0  }
0x1d: {  	s5 =	simm.s32 @p1 $0x1;
	p0 =	seq.s32 s7, s2  }
0x1e: {  	s7 =	smul.u32 @!p0 $0xF7A, s2;
	p2 =	seq.s32 @!p0 s5, $0x0  }
0x1f: {  	s9 =	smul.u32 $0xF7A, s1;
	s8 =	simm.s32 @!p0 $0x1BF5;
	p2 =	por !p2, p0  }
0x20: {  	[sflag:s8] =	ssyncset.s32 @!p0 $0xFFFFF086;
	s6 =	sadd.s32 @!p0 s3, s7;
	s7 =	simm.s32 @!p0 $0x108  }
0x21: {  	s3 =	sadd.s32 s3, s9;
	s6 =	sadd.s32 @!p0 $0x88, s6;
	s7 =	simm.s32 @p2 $0x1082  }
0x22: {  	[simem:s7], [sflag:s8] =	dma.local @!p0 [hbm:s6], $0xF7A  }
0x23: {  	s9 =	sor.u32 $0xD0000000, s2;
	s6 =	simm.s32 $0x108;
	_ =	swait.ge @!p0 [sflag:s8], $0x0  }
0x24: {  	s3 =	sadd.s32 $0x88, s3;
	s6 =	simm.s32 @!p1 $0x1082;
	[sflag:s4] =	ssyncset.s32 $0xFFFFF086  }
0x25: {  	[simem:s6], [sflag:s4] =	dma.local [hbm:s3], $0xF7A  }
0x26: {  	[smem:$0x3F75] =	sst s1;
	(tag) =	ssettag s2;
	_ =	strace s9  }
0x27: {  	s1 =	sld [smem:$0x3F85]  }
0x28: {  	s2 =	sld [smem:$0x3F86]  }
0x29: {  	s4 =	sld [smem:$0x3F88]  }
0x2a: {  	p0 =	seq.s32 s5, $0x0;
	s5 =	sld [smem:$0x3F89]  }
0x2b: {  	s6 =	sld [smem:$0x3F8A]  }
0x2c: {  	s7 =	sld [smem:$0x3F8B]  }
0x2d: {  	s3 =	simm.s32 $0x108;
	s8 =	sld [smem:$0x3F8C]  }
0x2e: {  	s3 =	simm.s32 @!p0 $0x1082;
	s9 =	sld [smem:$0x3F8D]  }
0x2f: {  	lr =	sadd.s32 s0, s3;
	s0 =	sld [smem:$0x3F84]  }
0x30: {  	s3 =	sld [smem:$0x3F87]  }
0x31: {  	[smem:$0x3F90] =	sst s10  }
0x32: {  	s10 =	sld [smem:$0x3F8E];
	_ =	sdelay $0x3  }
0x33: {  	p0 =	seq.s32 s10, $0x1;
	s10 =	sld [smem:$0x3F90];
	_ =	sdelay $0x3  }
0x34: {  	[smem:$0x3F90] =	sst s10  }
0x35: {  	s10 =	sld [smem:$0x3F8F];
	_ =	sdelay $0x3  }
0x36: {  	p1 =	seq.s32 s10, $0x1;
	s10 =	sld [smem:$0x3F90];
	_ =	sdelay $0x3  }
0x37: {  	[smem:$0x3F90] =	sst s10  }
0x38: {  	s10 =	sld [smem:$0x3F91]  }
0x39: {  	_ = 	snop;
	(pc) =	sbr.ind lr, $3  }
0x3a: {  	_ = 	snop  }
0x3b: {  	_ = 	snop  }
0x3c: {  	p2 =	seq.s32 s10, $0x1;
	s10 =	sld [smem:$0x3F90]  }
0x3d: {  	_ =	shalt  }
0x3e: {  	_ =	shalt  }
0x3f: {  	_ =	shalt  }
0x40: {  	_ =	shalt  }
0x41: {  	_ =	shalt  }
0x42: {  	_ =	shalt  }
0x43: {  	_ =	shalt  }
0x44: {  	_ =	shalt  }
0x45: {  	_ =	shalt  }
0x46: {  	_ =	shalt  }
0x47: {  	_ =	shalt  }
0x48: {  	_ =	shalt  }
0x49: {  	_ =	shalt  }
0x4a: {  	_ =	shalt  }
0x4b: {  	_ =	shalt  }
0x4c: {  	_ =	shalt  }
0x4d: {  	_ =	shalt  }
0x4e: {  	_ =	shalt  }
0x4f: {  	_ =	shalt  }
0x50: {  	_ =	shalt  }
0x51: {  	_ =	shalt  }
0x52: {  	_ =	shalt  }
0x53: {  	_ =	shalt  }
0x54: {  	_ =	shalt  }
0x55: {  	_ =	shalt  }
0x56: {  	_ =	shalt  }
0x57: {  	_ =	shalt  }
0x58: {  	_ =	shalt  }
0x59: {  	_ =	shalt  }
0x5a: {  	_ =	shalt  }
0x5b: {  	_ =	shalt  }
0x5c: {  	_ =	shalt  }
0x5d: {  	_ =	shalt  }
0x5e: {  	_ =	shalt  }
0x5f: {  	_ =	shalt  }
0x60: {  	_ =	shalt  }
0x61: {  	_ =	shalt  }
0x62: {  	_ =	shalt  }
0x63: {  	_ =	shalt  }
0x64: {  	_ =	shalt  }
0x65: {  	_ =	shalt  }
0x66: {  	_ =	shalt  }
0x67: {  	_ =	shalt  }
0x68: {  	_ =	shalt  }
0x69: {  	_ =	shalt  }
0x6a: {  	_ =	shalt  }
0x6b: {  	_ =	shalt  }
0x6c: {  	_ =	shalt  }
0x6d: {  	_ =	shalt  }
0x6e: {  	_ =	shalt  }
0x6f: {  	_ =	shalt  }
0x70: {  	_ =	shalt  }
0x71: {  	_ =	shalt  }
0x72: {  	_ =	shalt  }
0x73: {  	_ =	shalt  }
0x74: {  	_ =	shalt  }
0x75: {  	_ =	shalt  }
0x76: {  	_ =	shalt  }
0x77: {  	_ =	shalt  }
0x78: {  	_ =	shalt  }
0x79: {  	_ =	shalt  }
0x7a: {  	_ =	shalt  }
0x7b: {  	_ =	shalt  }
0x7c: {  	_ =	shalt  }
0x7d: {  	_ =	shalt  }
0x7e: {  	_ =	shalt  }
0x7f: {  	_ =	shalt  }
0x80: {  	_ =	shalt  }
0x81: {  	_ =	shalt  }
0x82: {  	_ =	shalt  }
0x83: {  	_ =	shalt  }
0x84: {  	_ =	shalt  }
0x85: {  	_ =	shalt  }
0x86: {  	_ =	shalt  }
0x87: {  	_ =	shalt  }
.Lfunc_end0:
.L_simem_size_0:
called_computation_lowered:
.L_overlay_start_0:
0x88: {  	s2 =	sld [smem:$0x3FD9]  }
0x89: {  	s3 =	sld [smem:$0x3FFE];
	_ =	sdelay $0x1  }
0x8a: {  	s1 =	srdreg.scid  }
0x8b: {  	s0 =	sand.u32 $0x1, s1  }
0x8c: {  	s16 =	sshll.u32 s0, $0xA;
	s2 =	sadd.s32 s3, s2  }
0x8d: {  	s2 =	sadd.s32 s2, s16  }
0x8e: {  	[smem:$0x3F9C] =	sst s2  }
0x8f: {  	_ = 	snop  }
0x90: {  	(tm) =	ssettm $0x1  }
0x91: {  	s17 =	sld [smem:$0x3FFB];
	_ =	sdelay $0x3  }
0x92: {  	_ =	strace s17  }
0x93: {  	s2 =	sld [smem:$0x3FFC];
	_ =	sdelay $0x3  }
0x94: {  	_ =	strace s2  }
0x95: {  	s2 =	sld [smem:$0x3FFD];
	_ =	sdelay $0x3  }
0x96: {  	_ =	strace s2  }
0x97: {  	_ =	strace $0x8FFFFFFF  }
0x98: {  	s18 =	sld [smem:$0x3FDB];
	_ =	sdelay $0x1  }
0x99: {  	s19 =	simm.s32 $_scs_section_size  }
0x9a: {  	s4 =	simm.s32 $_size__tile_overlayer_lowered;
	s5 =	simm.s32 $_tile_overlayer_lowered  }
0x9b: {  	s22 =	simm.s32 $0x1BFF;
	s21 =	sshll.u32 s5, $0x1;
	s2 =	sadd.s32 s19, s18  }
0x9c: {  	s6 =	simm.s32 $0x0;
	s20 =	sshll.u32 s4, $0x1;
	s4 =	sadd.s32 s21, s2  }
0x9d: {  	[timem:s6], [sflag:s22] =	dma.local [hbm:s4], s20  }
0x9e: {  	_ =	swait.ge [sflag:s22], s20  }
0x9f: {  	s3 =	ssub.s32 $0x0, s20;
	[sflag:s22] =	ssyncset.done $0x0  }
0xa0: {  	[sflag:s22] =	ssyncadd.s32 s3;
	_ =	sdelay $0x1  }
0xa1: {  	s23 =	simm.s32 $0x1B8B  }
0xa2: {  	_ =	swait.ge [sflag:s23], $0x1  }
0xa3: {  	[sflag:s23] =	ssyncset.done $0x0  }
0xa4: {  	s25 =	simm.s32 $0x1B8E;
	s24 =	sld [smem:$0x3FFE];
	[sflag:s23] =	ssyncadd.s32 $0xFFFFFFFF  }
0xa5: {  	s26 =	simm.s32 $execute0_lowered;
	[smem:$0x3FD2] =	sst s25  }
0xa6: {  	s4 =	sshll.u32 s26, $0x1;
	_ =	strace $0x80000046;
	[dreg:$0x1] =	wrdreg $0xFFFFFFFF  }
0xa7: {  	s28 =	simm.s32 $_size_execute0_lowered;
	s2 =	sadd.s32 s2, s4;
	[dreg:$0x0] =	wrdreg $0x0  }
0xa8: {  	s4 =	sshll.u32 s28, $0x1;
	[dreg:$0x2] =	wrdreg s2  }
0xa9: {  	[dreg:$0x3] =	wrdreg s4  }
0xaa: {  	[dreg:$0x4] =	wrdreg $0xC0  }
0xab: {  	_ =	task [dreg:s6], $0x5FFFF  }
0xac: {  	[dreg:$0x1] =	wrdreg $0xFFFFFFFF  }
0xad: {  	[dreg:$0x0] =	wrdreg $0x60  }
0xae: {  	[dreg:$0x2] =	wrdreg s24  }
0xaf: {  	[dreg:$0x3] =	wrdreg $0x9  }
0xb0: {  	_ =	task.clear_ibuf [dreg:s6], $0x4FFFF;
	_ =	strace $0x90000046  }
0xb1: {  	s29 =	simm.s32 $0x9;
	_ =	strace $0x80000048  }
0xb2: {  	_ =	swait.ge [sflag:s29], $0x1  }
0xb3: {  	[sflag:s29] =	ssyncadd.s32 $0xFFFFFFFF  }
0xb4: {  	_ =	strace $0x90000048  }
0xb5: {  	_ =	sfence  }
0xb6: {  	s30 =	sld [smem:$0x0];
	_ =	sdelay $0x2  }
0xb7: {  	s31 =	sshll.u32 s1, $0xD;
	s1 =	sshrl.u32 s1, $0x2  }
0xb8: {  	s3 =	sand.u32 $0x4000, s31;
	s1 =	sadd.s32 s1, s30  }
0xb9: {  	s0 =	sor.u32 s3, s0;
	s1 =	sshll.u32 s1, $0x11  }
0xba: {  	s0 =	sor.u32 s1, s0  }
0xbb: {  	s0 =	sadd.s32 $0x8F2B, s0  }
0xbc: {  	[sflag:s0] =	ssyncadd.remote.s32 $0x1  }
0xbd: {  	_ =	sfence.sel $0xFFFF  }
0xbe: {  	[dreg:$0x0] =	wrdreg $0xFFFFFFFF;
	(pc) =	sbr.abs _section_cstart, $3  }
0xbf: {  	[dreg:$0x1] =	wrdreg $0xFFFFFFFF  }
0xc0: {  	_ =	task.clear_ibuf [dreg:s6], $0x2FFFF;
	_ =	strace $0x9FFFFFFF  }
0xc1: {  	(tm) =	ssettm $0x7FFFFFFF  }
tec
execute0_lowered:
.L_overlay_start_1:
0x0: {  	(tag) =	ssettag $0x1  }
0x1: {  	s2 =	rddreg [dreg:$0x0]  }
0x2: {  	s0 =	rddreg [dreg:$0x1]  }
0x3: {  	s1 =	srdreg.scid;
	_ =	strace $0x80000047;
	s4 =	simm.s32 $0x1  }
0x4: {  	s9 =	simm.s32 $0x3;
	s12 =	simm.s32 $0x0;
	s5 =	sshll.u32 s1, $0x4  }
.Ltmp0:
0x5: {  	s1 =	stileid.u32;
	s5 =	sand.u32 $0x10, s5;
	(pc) =	sbr.rel .LBB2_1-.Ltmp0, $4  }
0x6: {  	s10 =	simm.s32 $0x0;
	s3 =	sadd.s32 $0x20000, s2;
	s6 =	sor.u32 s1, s5  }
0x7: {  	[sflag:s4] =	ssyncpa.u1 $0x0;
	s5 =	simm.s32 $0x2;
	s6 =	sshll.u32 s6, $0x7  }
0x8: {  	s7 =	sadd.s32 $0x20200, s2;
	[sflag:s5] =	ssyncpa.u1 $0x0;
	s8 =	sadd.s32 $0x80, s6  }
0x9: {  	vm0 =	vmmov $0xff;
	vm1 =	vcmask $0x3F20;
	[sflag:s9] =	ssyncpa.u1 $0x0;
	s9 =	simm.s32 $0x80;
	s11 =	smov.u32 s6  }
.LBB2_9:
0xa: {  	p0 =	seq.s32 s10, $0x2  }
.Ltmp1:
0xb: {  	_ = 	snop;
	(pc) =	sbr.rel @p0 .LBB2_11-.Ltmp1, $1  }
0xc: {  	_ =	sdelay $0x3  }
.LBB2_10:
0xd: {  	s12 =	sadd.s32 $0x80, s11  }
0xe: {  	s13 =	smov.u32 s6;
	p0 =	slt.s32 s12, s8  }
0xf: {  	s13 =	smov.u32 @p0 s12  }
0x10: {  	s10 =	sadd.s32 $0x1, s10;
	s12 =	smov.u32 s11;
	s11 =	smov.u32 s13  }
.LBB2_1:
0x11: {  	p0 =	sne.s32 s10, $0x0  }
.Ltmp2:
0x12: {  	_ = 	snop;
	(pc) =	sbr.rel @!p0 .LBB2_2-.Ltmp2, $1  }
0x13: {  	_ =	sdelay $0x3  }
0x14: {  	s13 =	sand.u32 $0x1, s10  }
0x15: {  	p0 =	seq.s32 s13, $0x0  }
.Ltmp3:
0x16: {  	_ = 	snop;
	(pc) =	sbr.rel @p0 .LBB2_9-.Ltmp3, $1  }
0x17: {  	_ =	sdelay $0x3  }
0x18: {  	_ =	swait.ge [sflag:s5], $0x80  }
0x19: {  	[sflag:s5] =	ssyncset.done $0x0  }
0x1a: {  	s13 =	simm.s32 $0x0;
	[sflag:s5] =	ssyncadd.s32 $0xFFFFFF80  }
0x1b: {  	v0 =	vld.msk [tilespmem:s13+$0x80 ss:$0x1], $0xffff;
	_ =	sdelay $0x4  }
0x1c: {  	v1 =	vshll.u32 v0, $0x5  }
0x1d: {  	vm2 =	veq.s32 v0, $0x80000000;
	v0 =	vshll.u32 v0, $0x12;
	v1 =	vand.u32 $0x3FF80, v1  }
0x1e: {  	v0 =	vand.u32 $0xC0000, v0;
	v1 =	vsel vm2, $0xFFFFFF80, v1  }
0x1f: {  	v0 =	vsel vm2, $0xFFFC0000, v0;
	v2 =	vand.u32 $0xFFFFFC00, v1  }
0x20: {  	v1 =	vand.u32 $0x380, v1;
	v0 =	vadd.s32 v0, v2  }
0x21: {  	v0 =	vor.u32 v1, v0  }
0x22: {  	v0 =	vshrl.u32 v0, $0x3;
	_ =	sdelay $0x3  }
0x23: {  	s13 =	simm.s32 $0x4100  }
0x24: {  	[tilespmem:s13], [sflag:$0x1] =	stream.indirect_vreg.gather [hbm:s2], $0x80, v0, vm0, $0x38;
	[tilespmem:$0x8100] =	vst v63  }
0x25: {  	s14 =	simm.s32 $0x4500;
	s31 =	simm.s32 $0x10  }
0x26: {  	[tilespmem:s14], [sflag:$0x1] =	stream.indirect_vreg.gather [hbm:s2], $0x80, v0, vm1, $0x38;
	[tilespmem:$0x8100] =	vst v63  }
0x27: {  	s14 =	simm.s32 $0x80;
	v0 =	vld.msk [tilespmem:s31+$0x80 ss:$0x1], $0xffff  }
.LBB2_5:
0x28: {  	p0 =	sne.s32 s14, $0x1C0;
	_ =	sdelay $0x4  }
0x29: {  	v1 =	vshll.u32 v0, $0x5  }
0x2a: {  	vm2 =	veq.s32 v0, $0x80000000;
	v0 =	vshll.u32 v0, $0x12;
	v1 =	vand.u32 $0x3FF80, v1  }
0x2b: {  	v0 =	vand.u32 $0xC0000, v0;
	v1 =	vsel vm2, $0xFFFFFF80, v1  }
0x2c: {  	v0 =	vsel vm2, $0xFFFC0000, v0;
	v2 =	vand.u32 $0xFFFFFC00, v1  }
0x2d: {  	v1 =	vand.u32 $0x380, v1;
	v0 =	vadd.s32 v0, v2  }
0x2e: {  	v0 =	vor.u32 v1, v0  }
0x2f: {  	v0 =	vshrl.u32 v0, $0x3;
	_ =	sdelay $0x3  }
.Ltmp4:
0x30: {  	s13 =	sadd.s32 $0x800, s13;
	(pc) =	sbr.rel @p0 .LBB2_5-.Ltmp4, $4  }
0x31: {  	[tilespmem:s13], [sflag:$0x1] =	stream.indirect_vreg.gather [hbm:s2], $0x80, v0, vm0, $0x38;
	[tilespmem:$0x8100] =	vst v63  }
0x32: {  	s15 =	sshra.s32 s14, $0x2;
	s16 =	sadd.s32 $0x400, s13  }
0x33: {  	[tilespmem:s16], [sflag:$0x1] =	stream.indirect_vreg.gather [hbm:s2], $0x80, v0, vm1, $0x38;
	[tilespmem:$0x8100] =	vst v63  }
0x34: {  	s14 =	sadd.s32 $0x40, s14;
	v0 =	vld.msk [tilespmem:s15+$0x80 ss:$0x1], $0xffff  }
0x35: {  	_ =	sdelay $0x3  }
0x36: {  	v1 =	vshll.u32 v0, $0x5  }
0x37: {  	vm2 =	veq.s32 v0, $0x80000000;
	v63 =	vshll.u32 v0, $0x12;
	v1 =	vand.u32 $0x3FF80, v1  }
0x38: {  	v0 =	vand.u32 $0xC0000, v63;
	v1 =	vsel vm2, $0xFFFFFF80, v1  }
0x39: {  	v0 =	vsel vm2, $0xFFFC0000, v0;
	v2 =	vand.u32 $0xFFFFFC00, v1  }
0x3a: {  	v1 =	vand.u32 $0x380, v1;
	v0 =	vadd.s32 v0, v2  }
0x3b: {  	v0 =	vor.u32 v1, v0  }
0x3c: {  	v0 =	vshrl.u32 v0, $0x3;
	_ =	sdelay $0x3  }
0x3d: {  	s13 =	sadd.s32 $0x800, s13  }
0x3e: {  	[tilespmem:s13], [sflag:$0x1] =	stream.indirect_vreg.gather [hbm:s2], $0x80, v0, vm0, $0x38;
	[tilespmem:$0x8100] =	vst v63  }
0x3f: {  	s13 =	sadd.s32 $0x400, s13  }
0x40: {  	[tilespmem:s13], [sflag:$0x1] =	stream.indirect_vreg.gather [hbm:s2], $0x80, v0, vm1, $0x38;
	[tilespmem:$0x8100] =	vst v63  }
0x41: {  	s12 =	sshll.u32 s12, $0x4;
	s14 =	simm.s32 $0x80;
	_ =	swait.ge [sflag:s4], $0x4000  }
0x42: {  	s15 =	simm.s32 $0x4500;
	s12 =	sadd.s32 s12, s7;
	[sflag:s4] =	ssyncset.done $0x0  }
0x43: {  	s16 =	sadd.s32 $0x0, s12;
	s13 =	simm.s32 $0x4100;
	[sflag:s4] =	ssyncadd.s32 $0xFFFFC000  }
.LBB2_7:
0x44: {  	[hbm:s16] =	stream.linear.scatter [tilespmem:s13], [sflag:$0x3], $0x400, $0x38;
	[tilespmem:$0x8100] =	vst v63  }
0x45: {  	s16 =	smov.u32 s14;
	s13 =	smov.u32 s15;
	p0 =	sne.s32 s14, $0x780  }
.Ltmp5:
0x46: {  	s14 =	sadd.s32 $0x80, s14;
	(pc) =	sbr.rel @p0 .LBB2_7-.Ltmp5, $2  }
0x47: {  	_ =	sdelay $0x2  }
0x48: {  	s15 =	sadd.s32 $0x400, s15;
	s16 =	sadd.s32 s16, s12  }
.Ltmp6:
0x49: {  	(pc) =	sbr.rel .LBB2_9-.Ltmp6, $2  }
0x4a: {  	_ =	sdelay $0x2  }
0x4b: {  	[hbm:s16] =	stream.linear.scatter [tilespmem:s13], [sflag:$0x3], $0x400, $0x38;
	[tilespmem:$0x8100] =	vst v63  }
.LBB2_2:
.Ltmp7:
0x4c: {  	(pc) =	sbr.rel .LBB2_10-.Ltmp7, $4  }
0x4d: {  	_ = 	snop  }
0x4e: {  	s12 =	sshrl.u32 s11, $0x3  }
0x4f: {  	s13 =	sand.u32 $0x7, s11;
	s12 =	sadd.s32 s3, s12  }
0x50: {  	[tilespmem:s9], [sflag:$0x2] =	stream.linear.gather [hbm4b:s12+s13], $0x80, $0x38;
	[tilespmem:$0x8100] =	vst v63  }
.LBB2_11:
0x51: {  	s2 =	simm.s32 $0x3  }
0x52: {  	_ =	swait.ge [sflag:s2], $0x4000  }
0x53: {  	[sflag:s2] =	ssyncset.done $0x0  }
0x54: {  	[sflag:s2] =	ssyncadd.s32 $0xFFFFC000  }
0x55: {  	_ =	sfence.sel $0x180000  }
0x56: {  	s3 =	simm.s32 $0x2;
	[bflag:$0x0] =	sbarrier.arrive $0xFFFF  }
0x57: {  	[sflag:s3] =	ssyncpa.u1 $0x1  }
0x58: {  	s31 =	simm.s32 $0x1;
	[sflag:s2] =	ssyncpa.u1 $0x1  }
0x59: {  	[sflag:s31] =	ssyncpa.u1 $0x1  }
0x5a: {  	p0 =	sne.s32 s1, $0x0;
	_ =	strace $0x90000047  }
0x5b: {  	s0 =	sadd.s32 @!p0 $0x100000, s0;
	[bflag:$0x2] =	sbarrier.arrive $0xFFFF  }
0x5c: {  	[sflag:s0] =	ssyncadd.tile.s32 @!p0 $0x1;
	_ =	shalt  }
.Lfunc_end2:
_tile_overlayer_lowered:
.L_overlay_start_2:
0x5d: {  	(tag) =	ssettag $0x2  }
0x5e: {  	s0 =	rddreg [dreg:$0x0];
	s2 =	stileid.u32  }
0x5f: {  	s1 =	rddreg [dreg:$0x1];
	p0 =	sne.s32 s2, $0x0  }
0x60: {  	s3 =	rddreg [dreg:$0x2];
	[bflag:$0x3] =	sbarrier.arrive $0xFFFF;
	s2 =	simm.s32 @!p0 $0x1C01  }
0x61: {  	[timem:s3], [sflag:s2] =	dma.local @!p0 [hbm:s0], s1  }
0x62: {  	s0 =	simm.s32 @!p0 $0x1  }
0x63: {  	_ =	swait.ge @!p0 [sflag:s0], s1  }
0x64: {  	s1 =	ssub.s32 @!p0 $0x0, s1;
	[sflag:s0] =	ssyncset.done @!p0 $0x0  }
0x65: {  	[sflag:s0] =	ssyncadd.s32 @!p0 s1  }
0x66: {  	[bflag:$0x3] =	sbarrier.arrive $0xFFFF  }
0x67: {  	_ =	shalt  }

</sc_bundles>
